<compile_context>
chip_gen: v7x
topology: tpu7x:2x2x1
jax: 0.10.2.dev20260603
libtpu: 0.0.44.dev20260713+nightly
codegen_flags: <defaults>
</compile_context>

<pallas_src>
import dataclasses
import functools
import math

import numpy as np
import jax
import jax.numpy as jnp
from jax import lax
from jax.experimental import pallas as pl
from jax.experimental.pallas import tpu as pltpu
from jax.experimental.pallas import tpu_sc as plsc

L = 2048
B = 2
D = 1024
H = 16
E = D // H
BH = B * H
F = L // 2
TOPK = int(math.log(L))
NLANE = 16
NCHUNK = L // NLANE
HP = H // 2
G = 4


def _split(x):
    hi = x.astype(jnp.bfloat16)
    lo = (x - hi.astype(jnp.float32)).astype(jnp.bfloat16)
    return hi, lo


def _dot3(a_hi, a_lo, b_hi, b_lo):
    r = jnp.dot(a_hi, b_hi, preferred_element_type=jnp.float32)
    r += jnp.dot(a_hi, b_lo, preferred_element_type=jnp.float32)
    r += jnp.dot(a_lo, b_hi, preferred_element_type=jnp.float32)
    r += jnp.dot(a_lo, b_lo, preferred_element_type=jnp.float32)
    return r


def _dot_bf16(a, b):
    return jnp.dot(a.astype(jnp.bfloat16), b.astype(jnp.bfloat16),
                   preferred_element_type=jnp.float32)


@functools.cache
def _dft_mats():
    f = np.arange(F, dtype=np.float64)[:, None]
    t = np.arange(L, dtype=np.float64)[None, :]
    ang = (2.0 * np.pi / L) * f * t
    ccos = np.cos(ang)
    csin = np.sin(ang)
    w = np.full((F, 1), 2.0)
    w[0, 0] = 1.0
    icos = w * ccos
    isin = -2.0 * csin
    isin[0, :] = 0.0
    out = []
    for m in (ccos, csin, icos, isin):
        m32 = jnp.asarray(m, jnp.float32)
        hi = m32.astype(jnp.bfloat16)
        lo = (m32 - hi.astype(jnp.float32)).astype(jnp.bfloat16)
        out.append((hi, lo))
    return out



def _proj_body(q_ref, k_ref, v_ref, wq_ref, wk_ref, wv_ref,
               bq_ref, bk_ref, bv_ref, oq_ref, ok_ref, ov_ref):
    lblk = q_ref.shape[0]
    for x_ref, w_ref, b_ref, o_ref in (
            (q_ref, wq_ref, bq_ref, oq_ref),
            (k_ref, wk_ref, bk_ref, ok_ref),
            (v_ref, wv_ref, bv_ref, ov_ref)):
        x = x_ref[...].reshape(lblk * B, D)
        y = _dot_bf16(x, w_ref[...]) + b_ref[0]
        o_ref[...] = y.reshape(lblk, B, D)


def _project(xq, xk, xv, wqT, wkT, wvT, bq, bk, bv):
    LBLK = 256
    grid = (L // LBLK,)
    in_spec = pl.BlockSpec((LBLK, B, D), lambda i: (i, 0, 0))
    w_spec = pl.BlockSpec((D, D), lambda i: (0, 0))
    b_spec = pl.BlockSpec((1, D), lambda i: (0, 0))
    out_shape = jax.ShapeDtypeStruct((L, B, D), jnp.float32)
    return pl.pallas_call(
        _proj_body,
        grid=grid,
        in_specs=[in_spec, in_spec, in_spec] + [w_spec] * 3 + [b_spec] * 3,
        out_specs=[in_spec, in_spec, in_spec],
        out_shape=[out_shape, out_shape, out_shape],
    )(xq, xk, xv, wqT, wkT, wvT,
      bq.reshape(1, D), bk.reshape(1, D), bv.reshape(1, D))



def _spec_body(q_ref, k_ref, ccos_hi, ccos_lo, csin_hi, csin_lo, p_ref):
    qm = q_ref[...].reshape(L, B * 128)
    km = k_ref[...].reshape(L, B * 128)
    q_hi, q_lo = _split(qm)
    k_hi, k_lo = _split(km)
    rhs_hi = jnp.concatenate([q_hi, k_hi], axis=1)
    rhs_lo = jnp.concatenate([q_lo, k_lo], axis=1)
    cr = _dot3(ccos_hi[...], ccos_lo[...], rhs_hi, rhs_lo)
    sr = _dot3(csin_hi[...], csin_lo[...], rhs_hi, rhs_lo)
    qr, kr = cr[:, :256], cr[:, 256:]
    qi, ki = sr[:, :256], sr[:, 256:]
    prod_r = qr * kr + qi * ki
    prod_i = qr * ki - qi * kr
    alt = jnp.where(
        (jax.lax.broadcasted_iota(jnp.int32, (L, 256), 0) & 1) == 0,
        1.0, -1.0)
    qa = jnp.sum(qm * alt, axis=0, keepdims=True)
    ka = jnp.sum(km * alt, axis=0, keepdims=True)
    prod_a = qa * ka
    lane = jax.lax.broadcasted_iota(jnp.int32, (F, 256), 1)
    lane1 = jax.lax.broadcasted_iota(jnp.int32, (1, 256), 1)
    for g in range(G):
        mask = (lane >= 64 * g) & (lane < 64 * g + 64)
        pr = jnp.sum(jnp.where(mask, prod_r, 0.0), axis=1)
        pi = jnp.sum(jnp.where(mask, prod_i, 0.0), axis=1)
        mask1 = (lane1 >= 64 * g) & (lane1 < 64 * g + 64)
        pnyq = jnp.sum(jnp.where(mask1, prod_a, 0.0))
        p_ref[0, g] = jnp.concatenate(
            [pr[None], pi[None], jnp.full((1, F), pnyq),
             jnp.zeros((5, F), jnp.float32)], axis=0)


def _spectra(Q, K):
    (cc_hi, cc_lo), (cs_hi, cs_lo), _, _ = _dft_mats()
    grid = (HP,)
    qk_spec = pl.BlockSpec((L, B, 128), lambda hp: (0, 0, hp))
    c_spec = pl.BlockSpec((F, L), lambda hp: (0, 0))
    out_spec = pl.BlockSpec((1, G, 8, F), lambda hp: (hp, 0, 0, 0))
    return pl.pallas_call(
        _spec_body,
        grid=grid,
        in_specs=[qk_spec, qk_spec, c_spec, c_spec, c_spec, c_spec],
        out_specs=out_spec,
        out_shape=jax.ShapeDtypeStruct((HP, G, 8, F), jnp.float32),
    )(Q, K, cc_hi, cc_lo, cs_hi, cs_lo)



def _invdft_body(p_ref, icos_hi, icos_lo, isin_hi, isin_lo, mc_ref):
    pr = p_ref[:, 0, :]
    pi = p_ref[:, 1, :]
    pnyq = p_ref[:, 2, 0:1]
    t_iota = jax.lax.broadcasted_iota(jnp.int32, (BH, L), 1)
    altrow = jnp.where((t_iota & 1) == 0, 1.0, -1.0)
    pr_hi, pr_lo = _split(pr)
    pi_hi, pi_lo = _split(pi)
    mc = _dot3(pr_hi, pr_lo, icos_hi[...], icos_lo[...])
    mc = mc + _dot3(pi_hi, pi_lo, isin_hi[...], isin_lo[...])
    mc_ref[...] = (mc + pnyq * altrow) * (1.0 / (L * E))


def _invdft(P):
    _, _, (ic_hi, ic_lo), (is_hi, is_lo) = _dft_mats()
    return pl.pallas_call(
        _invdft_body,
        in_specs=[pl.BlockSpec((BH, 8, F), lambda: (0, 0, 0))] +
                 [pl.BlockSpec((F, L), lambda: (0, 0))] * 4,
        out_specs=pl.BlockSpec((BH, L), lambda: (0, 0)),
        out_shape=jax.ShapeDtypeStruct((BH, L), jnp.float32),
    )(P, ic_hi, ic_lo, is_hi, is_lo)



def _topk_sc(mc):
    mesh = plsc.VectorSubcoreMesh(core_axis_name="c", subcore_axis_name="s")
    cp = pltpu.CompilerParams()
    if "needs_layout_passes" in pltpu.CompilerParams.__dataclass_fields__:
        cp = dataclasses.replace(cp, needs_layout_passes=False)

    @functools.partial(
        pl.kernel,
        mesh=mesh,
        compiler_params=cp,
        out_type=[jax.ShapeDtypeStruct((BH, NLANE), jnp.int32),
                  jax.ShapeDtypeStruct((BH, NLANE), jnp.float32)],
        scratch_types=[pltpu.VMEM((L,), jnp.float32),
                       pltpu.VMEM((NLANE,), jnp.int32),
                       pltpu.VMEM((NLANE,), jnp.float32)],
    )
    def k(mc_hbm, tau_hbm, wts_hbm, row_v, tau_v, wts_v):
        wid = lax.axis_index("s") * 2 + lax.axis_index("c")
        pltpu.sync_copy(mc_hbm.at[wid], row_v)
        lane = lax.broadcasted_iota(jnp.int32, (NLANE,), 0)
        tau_acc = jnp.zeros((NLANE,), jnp.int32)
        val_acc = jnp.full((NLANE,), -jnp.inf, jnp.float32)
        vmax0 = None
        for kk in range(TOPK):
            def body1(i, m):
                return jnp.maximum(m, row_v[pl.ds(i * NLANE, NLANE)])
            m = lax.fori_loop(0, NCHUNK, body1,
                              jnp.full((NLANE,), -jnp.inf, jnp.float32))
            vmax = jnp.max(m)
            if vmax0 is None:
                vmax0 = vmax

            def body2(i, best):
                v = row_v[pl.ds(i * NLANE, NLANE)]
                cand = jnp.where(v == vmax, i * NLANE + lane, L)
                return jnp.minimum(best, jnp.min(cand))
            idx = lax.fori_loop(0, NCHUNK, body2, jnp.int32(L))

            cstart = idx & ~(NLANE - 1)
            v = row_v[pl.ds(cstart, NLANE)]
            v = jnp.where(cstart + lane == idx, -jnp.inf, v)
            row_v[pl.ds(cstart, NLANE)] = v
            tau_acc = jnp.where(lane == kk, idx, tau_acc)
            val_acc = jnp.where(lane == kk, vmax, val_acc)

        wv = jnp.exp(val_acc - vmax0)
        s = jnp.sum(wv)
        wv = jnp.where(lane == TOPK, s, wv)
        tau_v[...] = tau_acc
        wts_v[...] = wv
        pltpu.sync_copy(tau_v, tau_hbm.at[wid])
        pltpu.sync_copy(wts_v, wts_hbm.at[wid])

    return k(mc)



def _agg_body(tau_ref, wts_ref, v_ref, wo_ref, bo_ref, out_ref, v2_ref):
    b = pl.program_id(0)
    hp = pl.program_id(1)
    vp = v_ref[:, b, :]
    y = None
    for j in range(2):
        row = hp * G + b * 2 + j
        vh = vp[:, j * E:(j + 1) * E]
        v2_ref[0:L, :] = vh
        v2_ref[L:2 * L, :] = vh
        inv = 1.0 / (TOPK * wts_ref[row, TOPK])
        acc = jnp.zeros((L, E), jnp.float32)
        for k in range(TOPK):
            tau = tau_ref[row, k]
            w = wts_ref[row, k] * inv
            acc = acc + w * v2_ref[pl.ds(tau, L), :]
        contrib = _dot_bf16(acc, wo_ref[0, j * E:(j + 1) * E, :])
        y = contrib if y is None else y + contrib

    @pl.when(hp == 0)
    def _():
        out_ref[0] = y + bo_ref[0]

    @pl.when(hp != 0)
    def _():
        out_ref[0] = out_ref[0] + y


def _aggregate(taus, wts, V, woT3, bo):
    grid = (B, HP)
    return pl.pallas_call(
        _agg_body,
        grid=grid,
        in_specs=[pl.BlockSpec(memory_space=pltpu.SMEM),
                  pl.BlockSpec(memory_space=pltpu.SMEM),
                  pl.BlockSpec((L, B, 128), lambda b, hp: (0, 0, hp)),
                  pl.BlockSpec((1, 2 * E, D), lambda b, hp: (hp, 0, 0)),
                  pl.BlockSpec((1, D), lambda b, hp: (0, 0))],
        out_specs=pl.BlockSpec((1, L, D), lambda b, hp: (b, 0, 0)),
        out_shape=jax.ShapeDtypeStruct((B, L, D), jnp.float32),
        scratch_shapes=[pltpu.VMEM((2 * L, E), jnp.float32)],
    )(taus, wts, V, woT3, bo.reshape(1, D))


def kernel(query, key, value, Wq, bq, Wk, bk, Wv, bv, Wo, bo):
    Q, K, V = _project(query, key, value, Wq.T, Wk.T, Wv.T, bq, bk, bv)
    P = _spectra(Q, K)
    mc = _invdft(P.reshape(BH, 8, F))
    taus, wts = _topk_sc(mc)
    out = _aggregate(taus, wts, V, Wo.T.reshape(HP, 2 * E, D), bo)
    return jnp.transpose(out, (1, 0, 2))

# --- scband reference (transcript-rebuilt; emitter-appended) ---
"""Pipeline reference for scband-multihead-auto-correlation-72911364817673 (READ-ONLY COPY).

The authoritative reference and input builder live on the scoring server;
editing this copy changes nothing except your own understanding.
"""

import math
import jax, jax.numpy as jnp
import numpy as np

N_HEADS = 16
C_SAMPLING = 1


def setup_inputs() -> dict:
    rng = jax.random.key(0)
    ks = jax.random.split(rng, 16)
    L, B, D = 2048, 2, 1024
    s = 0.02
    return {
        "query": jax.random.normal(ks[0], (L, B, D), dtype=jnp.float32),
        "key": jax.random.normal(ks[1], (L, B, D), dtype=jnp.float32),
        "value": jax.random.normal(ks[2], (L, B, D), dtype=jnp.float32),
        "Wq": jax.random.normal(ks[3], (D, D), dtype=jnp.float32) * s,
        "bq": jax.random.normal(ks[4], (D,), dtype=jnp.float32) * s,
        "Wk": jax.random.normal(ks[5], (D, D), dtype=jnp.float32) * s,
        "bk": jax.random.normal(ks[6], (D,), dtype=jnp.float32) * s,
        "Wv": jax.random.normal(ks[7], (D, D), dtype=jnp.float32) * s,
        "bv": jax.random.normal(ks[8], (D,), dtype=jnp.float32) * s,
        "Wo": jax.random.normal(ks[9], (D, D), dtype=jnp.float32) * s,
        "bo": jax.random.normal(ks[10], (D,), dtype=jnp.float32) * s,
    }


def _reshape_for_attn(x, n_heads):
    # (L, B, d_inner) -> (B, H, E, L)
    L, B, D = x.shape
    E = D // n_heads
    return jnp.transpose(x.reshape(L, B, n_heads, E), (1, 2, 3, 0))


def _time_delay_agg(V, corr_scores, c_sampling):
    B, H, E, S = V.shape
    topk = int(c_sampling * math.log(S))
    mean_corr = jnp.mean(corr_scores, axis=-2)  # (B, H, S)
    vals, taus = jax.lax.top_k(mean_corr, topk)  # (B, H, k)
    corr_weights = jax.nn.softmax(vals, axis=-1).reshape(B, H, 1, 1, topk)
    index = jnp.arange(S).reshape(1, 1, 1, S, 1)
    delayed_index = (index + taus.reshape(B, H, 1, 1, topk)) % S
    delayed_index = jnp.broadcast_to(delayed_index, (B, H, E, S, topk))
    V_exp = jnp.broadcast_to(V[..., None], (B, H, E, S, topk))
    delayed_out = jnp.take_along_axis(V_exp, delayed_index, axis=-2)
    agg_out = jnp.mean(delayed_out * corr_weights, axis=-1)  # (B, H, E, S)
    return agg_out


def reference(query, key, value, Wq, bq, Wk, bk, Wv, bv, Wo, bo):
    H = N_HEADS
    Q = _reshape_for_attn(query @ Wq.T + bq, H)
    K = _reshape_for_attn(key @ Wk.T + bk, H)
    V = _reshape_for_attn(value @ Wv.T + bv, H)
    L, S = Q.shape[-1], V.shape[-1]
    if L > S:
        pad = jnp.zeros(Q[..., : L - S].shape, Q.dtype)
        V = jnp.concatenate([V, pad], axis=-1)
        K = jnp.concatenate([K, pad], axis=-1)
    else:
        V = V[..., :L]
        K = K[..., :L]
    Q_fft = jnp.fft.rfft(Q, axis=-1)
    K_fft = jnp.fft.rfft(K, axis=-1)
    corr_scores = jnp.fft.irfft(Q_fft * jnp.conj(K_fft), n=L, axis=-1)
    agg = _time_delay_agg(V, corr_scores, C_SAMPLING)  # (B, H, E, L)
    B, Hh, E, Ls = agg.shape
    out = jnp.transpose(agg, (3, 0, 1, 2)).reshape(Ls, B, Hh * E)
    out = out @ Wo.T + bo
    return out

if __name__ == "__main__":
    import jax
    _d = setup_inputs()
    print(jax.jit(kernel)(*tuple(_d.values())))

</pallas_src>

<mosaic_0001>
#map = affine_map<(d0, d1) -> (0, 0)>
module attributes {stable_mosaic.version = 14 : i64} {
  func.func @k(%arg0: i32, %arg1: i32, %arg2: memref<32x2048xf32, #tpu.memory_space<hbm>>, %arg3: memref<32x16xi32, #tpu.memory_space<hbm>>, %arg4: memref<32x16xf32, #tpu.memory_space<hbm>>, %arg5: memref<2048xf32, #tpu.memory_space<vmem>>, %arg6: memref<16xi32, #tpu.memory_space<vmem>>, %arg7: memref<16xf32, #tpu.memory_space<vmem>>) attributes {dimension_semantics = [#tpu.dimension_semantics<core_parallel>, #tpu.dimension_semantics<subcore_parallel>], iteration_bounds = array<i64: 2, 16>, scalar_prefetch = 0 : i64, scratch_operands = 3 : i64, tpu.core_type = #tpu.core_type<sc_vector_subcore>, window_params = [{transform_indices = #map}, {transform_indices = #map}, {transform_indices = #map}]} {
    %mul3A = arith.constant 2 : i32
    %mul3A_0 = arith.muli %arg1, %mul3A : i32
    %add3A = arith.addi %mul3A_0, %arg0 : i32
    "tpu.region"() ({
      %run_scoped3A = tpu.sem_alloc : memref<!tpu.dma_semaphore, #tpu.memory_space<semaphore_mem>>
      %dma_start3A = arith.constant 0 : i32
      %dma_start3A_303 = tpu.memref_slice %arg2[%add3A, %dma_start3A] : memref<32x2048xf32, #tpu.memory_space<hbm>> -> memref<1x2048xf32, #tpu.memory_space<hbm>>
      %dma_start3A_304 = tpu.memref_squeeze %dma_start3A_303 : memref<1x2048xf32, #tpu.memory_space<hbm>> -> memref<2048xf32, #tpu.memory_space<hbm>>
      %dma_start3A_305 = arith.constant 0 : i32
      %dma_start3A_306 = tpu.memref_slice %arg2[%add3A, %dma_start3A_305] : memref<32x2048xf32, #tpu.memory_space<hbm>> -> memref<1x2048xf32, #tpu.memory_space<hbm>>
      %dma_start3A_307 = tpu.memref_squeeze %dma_start3A_306 : memref<1x2048xf32, #tpu.memory_space<hbm>> -> memref<2048xf32, #tpu.memory_space<hbm>>
      tpu.enqueue_dma source(%dma_start3A_307 : memref<2048xf32, #tpu.memory_space<hbm>>) target(%arg5 : memref<2048xf32, #tpu.memory_space<vmem>>) target_semaphore(%run_scoped3A : memref<!tpu.dma_semaphore, #tpu.memory_space<semaphore_mem>>)
      %dma_wait3A = arith.constant 0 : i32
      %dma_wait3A_308 = tpu.memref_slice %arg2[%add3A, %dma_wait3A] : memref<32x2048xf32, #tpu.memory_space<hbm>> -> memref<1x2048xf32, #tpu.memory_space<hbm>>
      %dma_wait3A_309 = tpu.memref_squeeze %dma_wait3A_308 : memref<1x2048xf32, #tpu.memory_space<hbm>> -> memref<2048xf32, #tpu.memory_space<hbm>>
      %dma_wait3A_310 = arith.constant 0 : i32
      %dma_wait3A_311 = tpu.memref_slice %arg2[%add3A, %dma_wait3A_310] : memref<32x2048xf32, #tpu.memory_space<hbm>> -> memref<1x2048xf32, #tpu.memory_space<hbm>>
      %dma_wait3A_312 = tpu.memref_squeeze %dma_wait3A_311 : memref<1x2048xf32, #tpu.memory_space<hbm>> -> memref<2048xf32, #tpu.memory_space<hbm>>
      tpu.wait_dma2 semaphore(%run_scoped3A : memref<!tpu.dma_semaphore, #tpu.memory_space<semaphore_mem>>) src(%dma_wait3A_312 : memref<2048xf32, #tpu.memory_space<hbm>>) dst(%arg5 : memref<2048xf32, #tpu.memory_space<vmem>>)
      tpu.yield
    }) : () -> ()
    %iota3A = tpu.iota {dimensions = array<i32: 0>} : vector<16xi32>
    %broadcast_in_dim3A = arith.constant 0 : i32
    %broadcast_in_dim3A_1 = vector.broadcast %broadcast_in_dim3A : i32 to vector<16xi32>
    %broadcast_in_dim3A_2 = arith.constant 0xFF800000 : f32
    %broadcast_in_dim3A_3 = vector.broadcast %broadcast_in_dim3A_2 : f32 to vector<16xf32>
    %broadcast_in_dim3A_4 = arith.constant 0xFF800000 : f32
    %broadcast_in_dim3A_5 = vector.broadcast %broadcast_in_dim3A_4 : f32 to vector<16xf32>
    %scan3A = arith.constant 0 : i32
    %scan3A_6 = arith.constant 128 : i32
    %scan3A_7 = arith.addi %scan3A, %scan3A_6 : i32
    %scan3A_8 = arith.constant 1 : i32
    %scan3A_9 = scf.for %scan3A_303 = %scan3A to %scan3A_7 step %scan3A_8 iter_args(%scan3A_304 = %broadcast_in_dim3A_5) -> (vector<16xf32>)  : i32 {
      %mul3A_305 = arith.constant 16 : i32
      %mul3A_306 = arith.muli %scan3A_303, %mul3A_305 : i32
      %get3A_307 = arith.index_cast %mul3A_306 : i32 to index
      %get3A_308 = tpu.vector_load %arg5[%get3A_307] {strides = array<i32>} : memref<2048xf32, #tpu.memory_space<vmem>>, vector<16xf32>,
      %max3A = arith.maximumf %scan3A_304, %get3A_308 : vector<16xf32>
      scf.yield %max3A : vector<16xf32>
    }
    %scan3A_10 = arith.constant 128 : i32
    %reduce_max3A = arith.constant true
    %reduce_max3A_11 = vector.broadcast %reduce_max3A : i1 to vector<16xi1>
    %reduce_max3A_12 = tpu.scan <max>, %scan3A_9 masked %reduce_max3A_11 : vector<16xf32>, vector<16xi1> -> vector<16xf32>
    %reduce_max3A_13 = vector.extract %reduce_max3A_12[15] : f32 from vector<16xf32>
    %scan3A_14 = arith.constant 2048 : i32
    %scan3A_15 = arith.constant 0 : i32
    %scan3A_16 = arith.constant 128 : i32
    %scan3A_17 = arith.addi %scan3A_15, %scan3A_16 : i32
    %scan3A_18 = arith.constant 1 : i32
    %scan3A_19 = scf.for %scan3A_303 = %scan3A_15 to %scan3A_17 step %scan3A_18 iter_args(%scan3A_304 = %scan3A_14) -> (i32)  : i32 {
      %mul3A_305 = arith.constant 16 : i32
      %mul3A_306 = arith.muli %scan3A_303, %mul3A_305 : i32
      %get3A_307 = arith.index_cast %mul3A_306 : i32 to index
      %get3A_308 = tpu.vector_load %arg5[%get3A_307] {strides = array<i32>} : memref<2048xf32, #tpu.memory_space<vmem>>, vector<16xf32>,
      %eq3A_309 = vector.broadcast %reduce_max3A_13 : f32 to vector<16xf32>
      %eq3A_310 = arith.cmpf oeq, %get3A_308, %eq3A_309 : vector<16xf32>
      %mul3A_311 = arith.constant 16 : i32
      %mul3A_312 = arith.muli %scan3A_303, %mul3A_311 : i32
      %add3A_313 = vector.broadcast %mul3A_312 : i32 to vector<16xi32>
      %add3A_314 = arith.addi %add3A_313, %iota3A : vector<16xi32>
      %jit3A_315 = arith.constant 2048 : i32
      %broadcast_in_dim3A_316 = vector.broadcast %jit3A_315 : i32 to vector<16xi32>
      %select_n3A_317 = arith.select %eq3A_310, %add3A_314, %broadcast_in_dim3A_316 : vector<16xi1>, vector<16xi32>
      %reduce_min3A = arith.constant true
      %reduce_min3A_318 = vector.broadcast %reduce_min3A : i1 to vector<16xi1>
      %reduce_min3A_319 = arith.constant -2147483648 : i32
      %reduce_min3A_320 = vector.broadcast %reduce_min3A_319 : i32 to vector<16xi32>
      %reduce_min3A_321 = arith.xori %select_n3A_317, %reduce_min3A_320 : vector<16xi32>
      %reduce_min3A_322 = tpu.scan <min>, %reduce_min3A_321 masked %reduce_min3A_318 : vector<16xi32>, vector<16xi1> -> vector<16xi32>
      %reduce_min3A_323 = arith.xori %reduce_min3A_322, %reduce_min3A_320 : vector<16xi32>
      %reduce_min3A_324 = vector.extract %reduce_min3A_323[15] : i32 from vector<16xi32>
      %min3A = arith.minsi %scan3A_304, %reduce_min3A_324 : i32
      scf.yield %min3A : i32
    }
    %scan3A_20 = arith.constant 128 : i32
    %and3A = arith.constant -16 : i32
    %and3A_21 = arith.andi %scan3A_19, %and3A : i32
    %get3A = arith.index_cast %and3A_21 : i32 to index
    %get3A_22 = tpu.vector_load %arg5[%get3A] {strides = array<i32>} : memref<2048xf32, #tpu.memory_space<vmem>>, vector<16xf32>,
    %add3A_23 = vector.broadcast %and3A_21 : i32 to vector<16xi32>
    %add3A_24 = arith.addi %add3A_23, %iota3A : vector<16xi32>
    %eq3A = vector.broadcast %scan3A_19 : i32 to vector<16xi32>
    %eq3A_25 = arith.cmpi eq, %add3A_24, %eq3A : vector<16xi32>
    %jit3A = arith.constant 0xFF800000 : f32
    %broadcast_in_dim3A_26 = vector.broadcast %jit3A : f32 to vector<16xf32>
    %select_n3A = arith.select %eq3A_25, %broadcast_in_dim3A_26, %get3A_22 : vector<16xi1>, vector<16xf32>
    %swap3A = arith.index_cast %and3A_21 : i32 to index
    %swap3A_27 = tpu.vector_load %arg5[%swap3A] {strides = array<i32>} : memref<2048xf32, #tpu.memory_space<vmem>>, vector<16xf32>,
    tpu.vector_store %arg5[%swap3A], %select_n3A {strides = array<i32>} : memref<2048xf32, #tpu.memory_space<vmem>>, vector<16xf32>,
    %eq3A_28 = arith.constant 0 : i32
    %eq3A_29 = vector.broadcast %eq3A_28 : i32 to vector<16xi32>
    %eq3A_30 = arith.cmpi eq, %iota3A, %eq3A_29 : vector<16xi32>
    %broadcast_in_dim3A_31 = vector.broadcast %scan3A_19 : i32 to vector<16xi32>
    %select_n3A_32 = arith.select %eq3A_30, %broadcast_in_dim3A_31, %broadcast_in_dim3A_1 : vector<16xi1>, vector<16xi32>
    %eq3A_33 = arith.constant 0 : i32
    %eq3A_34 = vector.broadcast %eq3A_33 : i32 to vector<16xi32>
    %eq3A_35 = arith.cmpi eq, %iota3A, %eq3A_34 : vector<16xi32>
    %broadcast_in_dim3A_36 = vector.broadcast %reduce_max3A_13 : f32 to vector<16xf32>
    %select_n3A_37 = arith.select %eq3A_35, %broadcast_in_dim3A_36, %broadcast_in_dim3A_3 : vector<16xi1>, vector<16xf32>
    %broadcast_in_dim3A_38 = arith.constant 0xFF800000 : f32
    %broadcast_in_dim3A_39 = vector.broadcast %broadcast_in_dim3A_38 : f32 to vector<16xf32>
    %scan3A_40 = arith.constant 0 : i32
    %scan3A_41 = arith.constant 128 : i32
    %scan3A_42 = arith.addi %scan3A_40, %scan3A_41 : i32
    %scan3A_43 = arith.constant 1 : i32
    %scan3A_44 = scf.for %scan3A_303 = %scan3A_40 to %scan3A_42 step %scan3A_43 iter_args(%scan3A_304 = %broadcast_in_dim3A_39) -> (vector<16xf32>)  : i32 {
      %mul3A_305 = arith.constant 16 : i32
      %mul3A_306 = arith.muli %scan3A_303, %mul3A_305 : i32
      %get3A_307 = arith.index_cast %mul3A_306 : i32 to index
      %get3A_308 = tpu.vector_load %arg5[%get3A_307] {strides = array<i32>} : memref<2048xf32, #tpu.memory_space<vmem>>, vector<16xf32>,
      %max3A = arith.maximumf %scan3A_304, %get3A_308 : vector<16xf32>
      scf.yield %max3A : vector<16xf32>
    }
    %scan3A_45 = arith.constant 128 : i32
    %reduce_max3A_46 = arith.constant true
    %reduce_max3A_47 = vector.broadcast %reduce_max3A_46 : i1 to vector<16xi1>
    %reduce_max3A_48 = tpu.scan <max>, %scan3A_44 masked %reduce_max3A_47 : vector<16xf32>, vector<16xi1> -> vector<16xf32>
    %reduce_max3A_49 = vector.extract %reduce_max3A_48[15] : f32 from vector<16xf32>
    %scan3A_50 = arith.constant 2048 : i32
    %scan3A_51 = arith.constant 0 : i32
    %scan3A_52 = arith.constant 128 : i32
    %scan3A_53 = arith.addi %scan3A_51, %scan3A_52 : i32
    %scan3A_54 = arith.constant 1 : i32
    %scan3A_55 = scf.for %scan3A_303 = %scan3A_51 to %scan3A_53 step %scan3A_54 iter_args(%scan3A_304 = %scan3A_50) -> (i32)  : i32 {
      %mul3A_305 = arith.constant 16 : i32
      %mul3A_306 = arith.muli %scan3A_303, %mul3A_305 : i32
      %get3A_307 = arith.index_cast %mul3A_306 : i32 to index
      %get3A_308 = tpu.vector_load %arg5[%get3A_307] {strides = array<i32>} : memref<2048xf32, #tpu.memory_space<vmem>>, vector<16xf32>,
      %eq3A_309 = vector.broadcast %reduce_max3A_49 : f32 to vector<16xf32>
      %eq3A_310 = arith.cmpf oeq, %get3A_308, %eq3A_309 : vector<16xf32>
      %mul3A_311 = arith.constant 16 : i32
      %mul3A_312 = arith.muli %scan3A_303, %mul3A_311 : i32
      %add3A_313 = vector.broadcast %mul3A_312 : i32 to vector<16xi32>
      %add3A_314 = arith.addi %add3A_313, %iota3A : vector<16xi32>
      %jit3A_315 = arith.constant 2048 : i32
      %broadcast_in_dim3A_316 = vector.broadcast %jit3A_315 : i32 to vector<16xi32>
      %select_n3A_317 = arith.select %eq3A_310, %add3A_314, %broadcast_in_dim3A_316 : vector<16xi1>, vector<16xi32>
      %reduce_min3A = arith.constant true
      %reduce_min3A_318 = vector.broadcast %reduce_min3A : i1 to vector<16xi1>
      %reduce_min3A_319 = arith.constant -2147483648 : i32
      %reduce_min3A_320 = vector.broadcast %reduce_min3A_319 : i32 to vector<16xi32>
      %reduce_min3A_321 = arith.xori %select_n3A_317, %reduce_min3A_320 : vector<16xi32>
      %reduce_min3A_322 = tpu.scan <min>, %reduce_min3A_321 masked %reduce_min3A_318 : vector<16xi32>, vector<16xi1> -> vector<16xi32>
      %reduce_min3A_323 = arith.xori %reduce_min3A_322, %reduce_min3A_320 : vector<16xi32>
      %reduce_min3A_324 = vector.extract %reduce_min3A_323[15] : i32 from vector<16xi32>
      %min3A = arith.minsi %scan3A_304, %reduce_min3A_324 : i32
      scf.yield %min3A : i32
    }
    %scan3A_56 = arith.constant 128 : i32
    %and3A_57 = arith.constant -16 : i32
    %and3A_58 = arith.andi %scan3A_55, %and3A_57 : i32
    %get3A_59 = arith.index_cast %and3A_58 : i32 to index
    %get3A_60 = tpu.vector_load %arg5[%get3A_59] {strides = array<i32>} : memref<2048xf32, #tpu.memory_space<vmem>>, vector<16xf32>,
    %add3A_61 = vector.broadcast %and3A_58 : i32 to vector<16xi32>
    %add3A_62 = arith.addi %add3A_61, %iota3A : vector<16xi32>
    %eq3A_63 = vector.broadcast %scan3A_55 : i32 to vector<16xi32>
    %eq3A_64 = arith.cmpi eq, %add3A_62, %eq3A_63 : vector<16xi32>
    %jit3A_65 = arith.constant 0xFF800000 : f32
    %broadcast_in_dim3A_66 = vector.broadcast %jit3A_65 : f32 to vector<16xf32>
    %select_n3A_67 = arith.select %eq3A_64, %broadcast_in_dim3A_66, %get3A_60 : vector<16xi1>, vector<16xf32>
    %swap3A_68 = arith.index_cast %and3A_58 : i32 to index
    %swap3A_69 = tpu.vector_load %arg5[%swap3A_68] {strides = array<i32>} : memref<2048xf32, #tpu.memory_space<vmem>>, vector<16xf32>,
    tpu.vector_store %arg5[%swap3A_68], %select_n3A_67 {strides = array<i32>} : memref<2048xf32, #tpu.memory_space<vmem>>, vector<16xf32>,
    %eq3A_70 = arith.constant 1 : i32
    %eq3A_71 = vector.broadcast %eq3A_70 : i32 to vector<16xi32>
    %eq3A_72 = arith.cmpi eq, %iota3A, %eq3A_71 : vector<16xi32>
    %broadcast_in_dim3A_73 = vector.broadcast %scan3A_55 : i32 to vector<16xi32>
    %select_n3A_74 = arith.select %eq3A_72, %broadcast_in_dim3A_73, %select_n3A_32 : vector<16xi1>, vector<16xi32>
    %eq3A_75 = arith.constant 1 : i32
    %eq3A_76 = vector.broadcast %eq3A_75 : i32 to vector<16xi32>
    %eq3A_77 = arith.cmpi eq, %iota3A, %eq3A_76 : vector<16xi32>
    %broadcast_in_dim3A_78 = vector.broadcast %reduce_max3A_49 : f32 to vector<16xf32>
    %select_n3A_79 = arith.select %eq3A_77, %broadcast_in_dim3A_78, %select_n3A_37 : vector<16xi1>, vector<16xf32>
    %broadcast_in_dim3A_80 = arith.constant 0xFF800000 : f32
    %broadcast_in_dim3A_81 = vector.broadcast %broadcast_in_dim3A_80 : f32 to vector<16xf32>
    %scan3A_82 = arith.constant 0 : i32
    %scan3A_83 = arith.constant 128 : i32
    %scan3A_84 = arith.addi %scan3A_82, %scan3A_83 : i32
    %scan3A_85 = arith.constant 1 : i32
    %scan3A_86 = scf.for %scan3A_303 = %scan3A_82 to %scan3A_84 step %scan3A_85 iter_args(%scan3A_304 = %broadcast_in_dim3A_81) -> (vector<16xf32>)  : i32 {
      %mul3A_305 = arith.constant 16 : i32
      %mul3A_306 = arith.muli %scan3A_303, %mul3A_305 : i32
      %get3A_307 = arith.index_cast %mul3A_306 : i32 to index
      %get3A_308 = tpu.vector_load %arg5[%get3A_307] {strides = array<i32>} : memref<2048xf32, #tpu.memory_space<vmem>>, vector<16xf32>,
      %max3A = arith.maximumf %scan3A_304, %get3A_308 : vector<16xf32>
      scf.yield %max3A : vector<16xf32>
    }
    %scan3A_87 = arith.constant 128 : i32
    %reduce_max3A_88 = arith.constant true
    %reduce_max3A_89 = vector.broadcast %reduce_max3A_88 : i1 to vector<16xi1>
    %reduce_max3A_90 = tpu.scan <max>, %scan3A_86 masked %reduce_max3A_89 : vector<16xf32>, vector<16xi1> -> vector<16xf32>
    %reduce_max3A_91 = vector.extract %reduce_max3A_90[15] : f32 from vector<16xf32>
    %scan3A_92 = arith.constant 2048 : i32
    %scan3A_93 = arith.constant 0 : i32
    %scan3A_94 = arith.constant 128 : i32
    %scan3A_95 = arith.addi %scan3A_93, %scan3A_94 : i32
    %scan3A_96 = arith.constant 1 : i32
    %scan3A_97 = scf.for %scan3A_303 = %scan3A_93 to %scan3A_95 step %scan3A_96 iter_args(%scan3A_304 = %scan3A_92) -> (i32)  : i32 {
      %mul3A_305 = arith.constant 16 : i32
      %mul3A_306 = arith.muli %scan3A_303, %mul3A_305 : i32
      %get3A_307 = arith.index_cast %mul3A_306 : i32 to index
      %get3A_308 = tpu.vector_load %arg5[%get3A_307] {strides = array<i32>} : memref<2048xf32, #tpu.memory_space<vmem>>, vector<16xf32>,
      %eq3A_309 = vector.broadcast %reduce_max3A_91 : f32 to vector<16xf32>
      %eq3A_310 = arith.cmpf oeq, %get3A_308, %eq3A_309 : vector<16xf32>
      %mul3A_311 = arith.constant 16 : i32
      %mul3A_312 = arith.muli %scan3A_303, %mul3A_311 : i32
      %add3A_313 = vector.broadcast %mul3A_312 : i32 to vector<16xi32>
      %add3A_314 = arith.addi %add3A_313, %iota3A : vector<16xi32>
      %jit3A_315 = arith.constant 2048 : i32
      %broadcast_in_dim3A_316 = vector.broadcast %jit3A_315 : i32 to vector<16xi32>
      %select_n3A_317 = arith.select %eq3A_310, %add3A_314, %broadcast_in_dim3A_316 : vector<16xi1>, vector<16xi32>
      %reduce_min3A = arith.constant true
      %reduce_min3A_318 = vector.broadcast %reduce_min3A : i1 to vector<16xi1>
      %reduce_min3A_319 = arith.constant -2147483648 : i32
      %reduce_min3A_320 = vector.broadcast %reduce_min3A_319 : i32 to vector<16xi32>
      %reduce_min3A_321 = arith.xori %select_n3A_317, %reduce_min3A_320 : vector<16xi32>
      %reduce_min3A_322 = tpu.scan <min>, %reduce_min3A_321 masked %reduce_min3A_318 : vector<16xi32>, vector<16xi1> -> vector<16xi32>
      %reduce_min3A_323 = arith.xori %reduce_min3A_322, %reduce_min3A_320 : vector<16xi32>
      %reduce_min3A_324 = vector.extract %reduce_min3A_323[15] : i32 from vector<16xi32>
      %min3A = arith.minsi %scan3A_304, %reduce_min3A_324 : i32
      scf.yield %min3A : i32
    }
    %scan3A_98 = arith.constant 128 : i32
    %and3A_99 = arith.constant -16 : i32
    %and3A_100 = arith.andi %scan3A_97, %and3A_99 : i32
    %get3A_101 = arith.index_cast %and3A_100 : i32 to index
    %get3A_102 = tpu.vector_load %arg5[%get3A_101] {strides = array<i32>} : memref<2048xf32, #tpu.memory_space<vmem>>, vector<16xf32>,
    %add3A_103 = vector.broadcast %and3A_100 : i32 to vector<16xi32>
    %add3A_104 = arith.addi %add3A_103, %iota3A : vector<16xi32>
    %eq3A_105 = vector.broadcast %scan3A_97 : i32 to vector<16xi32>
    %eq3A_106 = arith.cmpi eq, %add3A_104, %eq3A_105 : vector<16xi32>
    %jit3A_107 = arith.constant 0xFF800000 : f32
    %broadcast_in_dim3A_108 = vector.broadcast %jit3A_107 : f32 to vector<16xf32>
    %select_n3A_109 = arith.select %eq3A_106, %broadcast_in_dim3A_108, %get3A_102 : vector<16xi1>, vector<16xf32>
    %swap3A_110 = arith.index_cast %and3A_100 : i32 to index
    %swap3A_111 = tpu.vector_load %arg5[%swap3A_110] {strides = array<i32>} : memref<2048xf32, #tpu.memory_space<vmem>>, vector<16xf32>,
    tpu.vector_store %arg5[%swap3A_110], %select_n3A_109 {strides = array<i32>} : memref<2048xf32, #tpu.memory_space<vmem>>, vector<16xf32>,
    %eq3A_112 = arith.constant 2 : i32
    %eq3A_113 = vector.broadcast %eq3A_112 : i32 to vector<16xi32>
    %eq3A_114 = arith.cmpi eq, %iota3A, %eq3A_113 : vector<16xi32>
    %broadcast_in_dim3A_115 = vector.broadcast %scan3A_97 : i32 to vector<16xi32>
    %select_n3A_116 = arith.select %eq3A_114, %broadcast_in_dim3A_115, %select_n3A_74 : vector<16xi1>, vector<16xi32>
    %eq3A_117 = arith.constant 2 : i32
    %eq3A_118 = vector.broadcast %eq3A_117 : i32 to vector<16xi32>
    %eq3A_119 = arith.cmpi eq, %iota3A, %eq3A_118 : vector<16xi32>
    %broadcast_in_dim3A_120 = vector.broadcast %reduce_max3A_91 : f32 to vector<16xf32>
    %select_n3A_121 = arith.select %eq3A_119, %broadcast_in_dim3A_120, %select_n3A_79 : vector<16xi1>, vector<16xf32>
    %broadcast_in_dim3A_122 = arith.constant 0xFF800000 : f32
    %broadcast_in_dim3A_123 = vector.broadcast %broadcast_in_dim3A_122 : f32 to vector<16xf32>
    %scan3A_124 = arith.constant 0 : i32
    %scan3A_125 = arith.constant 128 : i32
    %scan3A_126 = arith.addi %scan3A_124, %scan3A_125 : i32
    %scan3A_127 = arith.constant 1 : i32
    %scan3A_128 = scf.for %scan3A_303 = %scan3A_124 to %scan3A_126 step %scan3A_127 iter_args(%scan3A_304 = %broadcast_in_dim3A_123) -> (vector<16xf32>)  : i32 {
      %mul3A_305 = arith.constant 16 : i32
      %mul3A_306 = arith.muli %scan3A_303, %mul3A_305 : i32
      %get3A_307 = arith.index_cast %mul3A_306 : i32 to index
      %get3A_308 = tpu.vector_load %arg5[%get3A_307] {strides = array<i32>} : memref<2048xf32, #tpu.memory_space<vmem>>, vector<16xf32>,
      %max3A = arith.maximumf %scan3A_304, %get3A_308 : vector<16xf32>
      scf.yield %max3A : vector<16xf32>
    }
    %scan3A_129 = arith.constant 128 : i32
    %reduce_max3A_130 = arith.constant true
    %reduce_max3A_131 = vector.broadcast %reduce_max3A_130 : i1 to vector<16xi1>
    %reduce_max3A_132 = tpu.scan <max>, %scan3A_128 masked %reduce_max3A_131 : vector<16xf32>, vector<16xi1> -> vector<16xf32>
    %reduce_max3A_133 = vector.extract %reduce_max3A_132[15] : f32 from vector<16xf32>
    %scan3A_134 = arith.constant 2048 : i32
    %scan3A_135 = arith.constant 0 : i32
    %scan3A_136 = arith.constant 128 : i32
    %scan3A_137 = arith.addi %scan3A_135, %scan3A_136 : i32
    %scan3A_138 = arith.constant 1 : i32
    %scan3A_139 = scf.for %scan3A_303 = %scan3A_135 to %scan3A_137 step %scan3A_138 iter_args(%scan3A_304 = %scan3A_134) -> (i32)  : i32 {
      %mul3A_305 = arith.constant 16 : i32
      %mul3A_306 = arith.muli %scan3A_303, %mul3A_305 : i32
      %get3A_307 = arith.index_cast %mul3A_306 : i32 to index
      %get3A_308 = tpu.vector_load %arg5[%get3A_307] {strides = array<i32>} : memref<2048xf32, #tpu.memory_space<vmem>>, vector<16xf32>,
      %eq3A_309 = vector.broadcast %reduce_max3A_133 : f32 to vector<16xf32>
      %eq3A_310 = arith.cmpf oeq, %get3A_308, %eq3A_309 : vector<16xf32>
      %mul3A_311 = arith.constant 16 : i32
      %mul3A_312 = arith.muli %scan3A_303, %mul3A_311 : i32
      %add3A_313 = vector.broadcast %mul3A_312 : i32 to vector<16xi32>
      %add3A_314 = arith.addi %add3A_313, %iota3A : vector<16xi32>
      %jit3A_315 = arith.constant 2048 : i32
      %broadcast_in_dim3A_316 = vector.broadcast %jit3A_315 : i32 to vector<16xi32>
      %select_n3A_317 = arith.select %eq3A_310, %add3A_314, %broadcast_in_dim3A_316 : vector<16xi1>, vector<16xi32>
      %reduce_min3A = arith.constant true
      %reduce_min3A_318 = vector.broadcast %reduce_min3A : i1 to vector<16xi1>
      %reduce_min3A_319 = arith.constant -2147483648 : i32
      %reduce_min3A_320 = vector.broadcast %reduce_min3A_319 : i32 to vector<16xi32>
      %reduce_min3A_321 = arith.xori %select_n3A_317, %reduce_min3A_320 : vector<16xi32>
      %reduce_min3A_322 = tpu.scan <min>, %reduce_min3A_321 masked %reduce_min3A_318 : vector<16xi32>, vector<16xi1> -> vector<16xi32>
      %reduce_min3A_323 = arith.xori %reduce_min3A_322, %reduce_min3A_320 : vector<16xi32>
      %reduce_min3A_324 = vector.extract %reduce_min3A_323[15] : i32 from vector<16xi32>
      %min3A = arith.minsi %scan3A_304, %reduce_min3A_324 : i32
      scf.yield %min3A : i32
    }
    %scan3A_140 = arith.constant 128 : i32
    %and3A_141 = arith.constant -16 : i32
    %and3A_142 = arith.andi %scan3A_139, %and3A_141 : i32
    %get3A_143 = arith.index_cast %and3A_142 : i32 to index
    %get3A_144 = tpu.vector_load %arg5[%get3A_143] {strides = array<i32>} : memref<2048xf32, #tpu.memory_space<vmem>>, vector<16xf32>,
    %add3A_145 = vector.broadcast %and3A_142 : i32 to vector<16xi32>
    %add3A_146 = arith.addi %add3A_145, %iota3A : vector<16xi32>
    %eq3A_147 = vector.broadcast %scan3A_139 : i32 to vector<16xi32>
    %eq3A_148 = arith.cmpi eq, %add3A_146, %eq3A_147 : vector<16xi32>
    %jit3A_149 = arith.constant 0xFF800000 : f32
    %broadcast_in_dim3A_150 = vector.broadcast %jit3A_149 : f32 to vector<16xf32>
    %select_n3A_151 = arith.select %eq3A_148, %broadcast_in_dim3A_150, %get3A_144 : vector<16xi1>, vector<16xf32>
    %swap3A_152 = arith.index_cast %and3A_142 : i32 to index
    %swap3A_153 = tpu.vector_load %arg5[%swap3A_152] {strides = array<i32>} : memref<2048xf32, #tpu.memory_space<vmem>>, vector<16xf32>,
    tpu.vector_store %arg5[%swap3A_152], %select_n3A_151 {strides = array<i32>} : memref<2048xf32, #tpu.memory_space<vmem>>, vector<16xf32>,
    %eq3A_154 = arith.constant 3 : i32
    %eq3A_155 = vector.broadcast %eq3A_154 : i32 to vector<16xi32>
    %eq3A_156 = arith.cmpi eq, %iota3A, %eq3A_155 : vector<16xi32>
    %broadcast_in_dim3A_157 = vector.broadcast %scan3A_139 : i32 to vector<16xi32>
    %select_n3A_158 = arith.select %eq3A_156, %broadcast_in_dim3A_157, %select_n3A_116 : vector<16xi1>, vector<16xi32>
    %eq3A_159 = arith.constant 3 : i32
    %eq3A_160 = vector.broadcast %eq3A_159 : i32 to vector<16xi32>
    %eq3A_161 = arith.cmpi eq, %iota3A, %eq3A_160 : vector<16xi32>
    %broadcast_in_dim3A_162 = vector.broadcast %reduce_max3A_133 : f32 to vector<16xf32>
    %select_n3A_163 = arith.select %eq3A_161, %broadcast_in_dim3A_162, %select_n3A_121 : vector<16xi1>, vector<16xf32>
    %broadcast_in_dim3A_164 = arith.constant 0xFF800000 : f32
    %broadcast_in_dim3A_165 = vector.broadcast %broadcast_in_dim3A_164 : f32 to vector<16xf32>
    %scan3A_166 = arith.constant 0 : i32
    %scan3A_167 = arith.constant 128 : i32
    %scan3A_168 = arith.addi %scan3A_166, %scan3A_167 : i32
    %scan3A_169 = arith.constant 1 : i32
    %scan3A_170 = scf.for %scan3A_303 = %scan3A_166 to %scan3A_168 step %scan3A_169 iter_args(%scan3A_304 = %broadcast_in_dim3A_165) -> (vector<16xf32>)  : i32 {
      %mul3A_305 = arith.constant 16 : i32
      %mul3A_306 = arith.muli %scan3A_303, %mul3A_305 : i32
      %get3A_307 = arith.index_cast %mul3A_306 : i32 to index
      %get3A_308 = tpu.vector_load %arg5[%get3A_307] {strides = array<i32>} : memref<2048xf32, #tpu.memory_space<vmem>>, vector<16xf32>,
      %max3A = arith.maximumf %scan3A_304, %get3A_308 : vector<16xf32>
      scf.yield %max3A : vector<16xf32>
    }
    %scan3A_171 = arith.constant 128 : i32
    %reduce_max3A_172 = arith.constant true
    %reduce_max3A_173 = vector.broadcast %reduce_max3A_172 : i1 to vector<16xi1>
    %reduce_max3A_174 = tpu.scan <max>, %scan3A_170 masked %reduce_max3A_173 : vector<16xf32>, vector<16xi1> -> vector<16xf32>
    %reduce_max3A_175 = vector.extract %reduce_max3A_174[15] : f32 from vector<16xf32>
    %scan3A_176 = arith.constant 2048 : i32
    %scan3A_177 = arith.constant 0 : i32
    %scan3A_178 = arith.constant 128 : i32
    %scan3A_179 = arith.addi %scan3A_177, %scan3A_178 : i32
    %scan3A_180 = arith.constant 1 : i32
    %scan3A_181 = scf.for %scan3A_303 = %scan3A_177 to %scan3A_179 step %scan3A_180 iter_args(%scan3A_304 = %scan3A_176) -> (i32)  : i32 {
      %mul3A_305 = arith.constant 16 : i32
      %mul3A_306 = arith.muli %scan3A_303, %mul3A_305 : i32
      %get3A_307 = arith.index_cast %mul3A_306 : i32 to index
      %get3A_308 = tpu.vector_load %arg5[%get3A_307] {strides = array<i32>} : memref<2048xf32, #tpu.memory_space<vmem>>, vector<16xf32>,
      %eq3A_309 = vector.broadcast %reduce_max3A_175 : f32 to vector<16xf32>
      %eq3A_310 = arith.cmpf oeq, %get3A_308, %eq3A_309 : vector<16xf32>
      %mul3A_311 = arith.constant 16 : i32
      %mul3A_312 = arith.muli %scan3A_303, %mul3A_311 : i32
      %add3A_313 = vector.broadcast %mul3A_312 : i32 to vector<16xi32>
      %add3A_314 = arith.addi %add3A_313, %iota3A : vector<16xi32>
      %jit3A_315 = arith.constant 2048 : i32
      %broadcast_in_dim3A_316 = vector.broadcast %jit3A_315 : i32 to vector<16xi32>
      %select_n3A_317 = arith.select %eq3A_310, %add3A_314, %broadcast_in_dim3A_316 : vector<16xi1>, vector<16xi32>
      %reduce_min3A = arith.constant true
      %reduce_min3A_318 = vector.broadcast %reduce_min3A : i1 to vector<16xi1>
      %reduce_min3A_319 = arith.constant -2147483648 : i32
      %reduce_min3A_320 = vector.broadcast %reduce_min3A_319 : i32 to vector<16xi32>
      %reduce_min3A_321 = arith.xori %select_n3A_317, %reduce_min3A_320 : vector<16xi32>
      %reduce_min3A_322 = tpu.scan <min>, %reduce_min3A_321 masked %reduce_min3A_318 : vector<16xi32>, vector<16xi1> -> vector<16xi32>
      %reduce_min3A_323 = arith.xori %reduce_min3A_322, %reduce_min3A_320 : vector<16xi32>
      %reduce_min3A_324 = vector.extract %reduce_min3A_323[15] : i32 from vector<16xi32>
      %min3A = arith.minsi %scan3A_304, %reduce_min3A_324 : i32
      scf.yield %min3A : i32
    }
    %scan3A_182 = arith.constant 128 : i32
    %and3A_183 = arith.constant -16 : i32
    %and3A_184 = arith.andi %scan3A_181, %and3A_183 : i32
    %get3A_185 = arith.index_cast %and3A_184 : i32 to index
    %get3A_186 = tpu.vector_load %arg5[%get3A_185] {strides = array<i32>} : memref<2048xf32, #tpu.memory_space<vmem>>, vector<16xf32>,
    %add3A_187 = vector.broadcast %and3A_184 : i32 to vector<16xi32>
    %add3A_188 = arith.addi %add3A_187, %iota3A : vector<16xi32>
    %eq3A_189 = vector.broadcast %scan3A_181 : i32 to vector<16xi32>
    %eq3A_190 = arith.cmpi eq, %add3A_188, %eq3A_189 : vector<16xi32>
    %jit3A_191 = arith.constant 0xFF800000 : f32
    %broadcast_in_dim3A_192 = vector.broadcast %jit3A_191 : f32 to vector<16xf32>
    %select_n3A_193 = arith.select %eq3A_190, %broadcast_in_dim3A_192, %get3A_186 : vector<16xi1>, vector<16xf32>
    %swap3A_194 = arith.index_cast %and3A_184 : i32 to index
    %swap3A_195 = tpu.vector_load %arg5[%swap3A_194] {strides = array<i32>} : memref<2048xf32, #tpu.memory_space<vmem>>, vector<16xf32>,
    tpu.vector_store %arg5[%swap3A_194], %select_n3A_193 {strides = array<i32>} : memref<2048xf32, #tpu.memory_space<vmem>>, vector<16xf32>,
    %eq3A_196 = arith.constant 4 : i32
    %eq3A_197 = vector.broadcast %eq3A_196 : i32 to vector<16xi32>
    %eq3A_198 = arith.cmpi eq, %iota3A, %eq3A_197 : vector<16xi32>
    %broadcast_in_dim3A_199 = vector.broadcast %scan3A_181 : i32 to vector<16xi32>
    %select_n3A_200 = arith.select %eq3A_198, %broadcast_in_dim3A_199, %select_n3A_158 : vector<16xi1>, vector<16xi32>
    %eq3A_201 = arith.constant 4 : i32
    %eq3A_202 = vector.broadcast %eq3A_201 : i32 to vector<16xi32>
    %eq3A_203 = arith.cmpi eq, %iota3A, %eq3A_202 : vector<16xi32>
    %broadcast_in_dim3A_204 = vector.broadcast %reduce_max3A_175 : f32 to vector<16xf32>
    %select_n3A_205 = arith.select %eq3A_203, %broadcast_in_dim3A_204, %select_n3A_163 : vector<16xi1>, vector<16xf32>
    %broadcast_in_dim3A_206 = arith.constant 0xFF800000 : f32
    %broadcast_in_dim3A_207 = vector.broadcast %broadcast_in_dim3A_206 : f32 to vector<16xf32>
    %scan3A_208 = arith.constant 0 : i32
    %scan3A_209 = arith.constant 128 : i32
    %scan3A_210 = arith.addi %scan3A_208, %scan3A_209 : i32
    %scan3A_211 = arith.constant 1 : i32
    %scan3A_212 = scf.for %scan3A_303 = %scan3A_208 to %scan3A_210 step %scan3A_211 iter_args(%scan3A_304 = %broadcast_in_dim3A_207) -> (vector<16xf32>)  : i32 {
      %mul3A_305 = arith.constant 16 : i32
      %mul3A_306 = arith.muli %scan3A_303, %mul3A_305 : i32
      %get3A_307 = arith.index_cast %mul3A_306 : i32 to index
      %get3A_308 = tpu.vector_load %arg5[%get3A_307] {strides = array<i32>} : memref<2048xf32, #tpu.memory_space<vmem>>, vector<16xf32>,
      %max3A = arith.maximumf %scan3A_304, %get3A_308 : vector<16xf32>
      scf.yield %max3A : vector<16xf32>
    }
    %scan3A_213 = arith.constant 128 : i32
    %reduce_max3A_214 = arith.constant true
    %reduce_max3A_215 = vector.broadcast %reduce_max3A_214 : i1 to vector<16xi1>
    %reduce_max3A_216 = tpu.scan <max>, %scan3A_212 masked %reduce_max3A_215 : vector<16xf32>, vector<16xi1> -> vector<16xf32>
    %reduce_max3A_217 = vector.extract %reduce_max3A_216[15] : f32 from vector<16xf32>
    %scan3A_218 = arith.constant 2048 : i32
    %scan3A_219 = arith.constant 0 : i32
    %scan3A_220 = arith.constant 128 : i32
    %scan3A_221 = arith.addi %scan3A_219, %scan3A_220 : i32
    %scan3A_222 = arith.constant 1 : i32
    %scan3A_223 = scf.for %scan3A_303 = %scan3A_219 to %scan3A_221 step %scan3A_222 iter_args(%scan3A_304 = %scan3A_218) -> (i32)  : i32 {
      %mul3A_305 = arith.constant 16 : i32
      %mul3A_306 = arith.muli %scan3A_303, %mul3A_305 : i32
      %get3A_307 = arith.index_cast %mul3A_306 : i32 to index
      %get3A_308 = tpu.vector_load %arg5[%get3A_307] {strides = array<i32>} : memref<2048xf32, #tpu.memory_space<vmem>>, vector<16xf32>,
      %eq3A_309 = vector.broadcast %reduce_max3A_217 : f32 to vector<16xf32>
      %eq3A_310 = arith.cmpf oeq, %get3A_308, %eq3A_309 : vector<16xf32>
      %mul3A_311 = arith.constant 16 : i32
      %mul3A_312 = arith.muli %scan3A_303, %mul3A_311 : i32
      %add3A_313 = vector.broadcast %mul3A_312 : i32 to vector<16xi32>
      %add3A_314 = arith.addi %add3A_313, %iota3A : vector<16xi32>
      %jit3A_315 = arith.constant 2048 : i32
      %broadcast_in_dim3A_316 = vector.broadcast %jit3A_315 : i32 to vector<16xi32>
      %select_n3A_317 = arith.select %eq3A_310, %add3A_314, %broadcast_in_dim3A_316 : vector<16xi1>, vector<16xi32>
      %reduce_min3A = arith.constant true
      %reduce_min3A_318 = vector.broadcast %reduce_min3A : i1 to vector<16xi1>
      %reduce_min3A_319 = arith.constant -2147483648 : i32
      %reduce_min3A_320 = vector.broadcast %reduce_min3A_319 : i32 to vector<16xi32>
      %reduce_min3A_321 = arith.xori %select_n3A_317, %reduce_min3A_320 : vector<16xi32>
      %reduce_min3A_322 = tpu.scan <min>, %reduce_min3A_321 masked %reduce_min3A_318 : vector<16xi32>, vector<16xi1> -> vector<16xi32>
      %reduce_min3A_323 = arith.xori %reduce_min3A_322, %reduce_min3A_320 : vector<16xi32>
      %reduce_min3A_324 = vector.extract %reduce_min3A_323[15] : i32 from vector<16xi32>
      %min3A = arith.minsi %scan3A_304, %reduce_min3A_324 : i32
      scf.yield %min3A : i32
    }
    %scan3A_224 = arith.constant 128 : i32
    %and3A_225 = arith.constant -16 : i32
    %and3A_226 = arith.andi %scan3A_223, %and3A_225 : i32
    %get3A_227 = arith.index_cast %and3A_226 : i32 to index
    %get3A_228 = tpu.vector_load %arg5[%get3A_227] {strides = array<i32>} : memref<2048xf32, #tpu.memory_space<vmem>>, vector<16xf32>,
    %add3A_229 = vector.broadcast %and3A_226 : i32 to vector<16xi32>
    %add3A_230 = arith.addi %add3A_229, %iota3A : vector<16xi32>
    %eq3A_231 = vector.broadcast %scan3A_223 : i32 to vector<16xi32>
    %eq3A_232 = arith.cmpi eq, %add3A_230, %eq3A_231 : vector<16xi32>
    %jit3A_233 = arith.constant 0xFF800000 : f32
    %broadcast_in_dim3A_234 = vector.broadcast %jit3A_233 : f32 to vector<16xf32>
    %select_n3A_235 = arith.select %eq3A_232, %broadcast_in_dim3A_234, %get3A_228 : vector<16xi1>, vector<16xf32>
    %swap3A_236 = arith.index_cast %and3A_226 : i32 to index
    %swap3A_237 = tpu.vector_load %arg5[%swap3A_236] {strides = array<i32>} : memref<2048xf32, #tpu.memory_space<vmem>>, vector<16xf32>,
    tpu.vector_store %arg5[%swap3A_236], %select_n3A_235 {strides = array<i32>} : memref<2048xf32, #tpu.memory_space<vmem>>, vector<16xf32>,
    %eq3A_238 = arith.constant 5 : i32
    %eq3A_239 = vector.broadcast %eq3A_238 : i32 to vector<16xi32>
    %eq3A_240 = arith.cmpi eq, %iota3A, %eq3A_239 : vector<16xi32>
    %broadcast_in_dim3A_241 = vector.broadcast %scan3A_223 : i32 to vector<16xi32>
    %select_n3A_242 = arith.select %eq3A_240, %broadcast_in_dim3A_241, %select_n3A_200 : vector<16xi1>, vector<16xi32>
    %eq3A_243 = arith.constant 5 : i32
    %eq3A_244 = vector.broadcast %eq3A_243 : i32 to vector<16xi32>
    %eq3A_245 = arith.cmpi eq, %iota3A, %eq3A_244 : vector<16xi32>
    %broadcast_in_dim3A_246 = vector.broadcast %reduce_max3A_217 : f32 to vector<16xf32>
    %select_n3A_247 = arith.select %eq3A_245, %broadcast_in_dim3A_246, %select_n3A_205 : vector<16xi1>, vector<16xf32>
    %broadcast_in_dim3A_248 = arith.constant 0xFF800000 : f32
    %broadcast_in_dim3A_249 = vector.broadcast %broadcast_in_dim3A_248 : f32 to vector<16xf32>
    %scan3A_250 = arith.constant 0 : i32
    %scan3A_251 = arith.constant 128 : i32
    %scan3A_252 = arith.addi %scan3A_250, %scan3A_251 : i32
    %scan3A_253 = arith.constant 1 : i32
    %scan3A_254 = scf.for %scan3A_303 = %scan3A_250 to %scan3A_252 step %scan3A_253 iter_args(%scan3A_304 = %broadcast_in_dim3A_249) -> (vector<16xf32>)  : i32 {
      %mul3A_305 = arith.constant 16 : i32
      %mul3A_306 = arith.muli %scan3A_303, %mul3A_305 : i32
      %get3A_307 = arith.index_cast %mul3A_306 : i32 to index
      %get3A_308 = tpu.vector_load %arg5[%get3A_307] {strides = array<i32>} : memref<2048xf32, #tpu.memory_space<vmem>>, vector<16xf32>,
      %max3A = arith.maximumf %scan3A_304, %get3A_308 : vector<16xf32>
      scf.yield %max3A : vector<16xf32>
    }
    %scan3A_255 = arith.constant 128 : i32
    %reduce_max3A_256 = arith.constant true
    %reduce_max3A_257 = vector.broadcast %reduce_max3A_256 : i1 to vector<16xi1>
    %reduce_max3A_258 = tpu.scan <max>, %scan3A_254 masked %reduce_max3A_257 : vector<16xf32>, vector<16xi1> -> vector<16xf32>
    %reduce_max3A_259 = vector.extract %reduce_max3A_258[15] : f32 from vector<16xf32>
    %scan3A_260 = arith.constant 2048 : i32
    %scan3A_261 = arith.constant 0 : i32
    %scan3A_262 = arith.constant 128 : i32
    %scan3A_263 = arith.addi %scan3A_261, %scan3A_262 : i32
    %scan3A_264 = arith.constant 1 : i32
    %scan3A_265 = scf.for %scan3A_303 = %scan3A_261 to %scan3A_263 step %scan3A_264 iter_args(%scan3A_304 = %scan3A_260) -> (i32)  : i32 {
      %mul3A_305 = arith.constant 16 : i32
      %mul3A_306 = arith.muli %scan3A_303, %mul3A_305 : i32
      %get3A_307 = arith.index_cast %mul3A_306 : i32 to index
      %get3A_308 = tpu.vector_load %arg5[%get3A_307] {strides = array<i32>} : memref<2048xf32, #tpu.memory_space<vmem>>, vector<16xf32>,
      %eq3A_309 = vector.broadcast %reduce_max3A_259 : f32 to vector<16xf32>
      %eq3A_310 = arith.cmpf oeq, %get3A_308, %eq3A_309 : vector<16xf32>
      %mul3A_311 = arith.constant 16 : i32
      %mul3A_312 = arith.muli %scan3A_303, %mul3A_311 : i32
      %add3A_313 = vector.broadcast %mul3A_312 : i32 to vector<16xi32>
      %add3A_314 = arith.addi %add3A_313, %iota3A : vector<16xi32>
      %jit3A_315 = arith.constant 2048 : i32
      %broadcast_in_dim3A_316 = vector.broadcast %jit3A_315 : i32 to vector<16xi32>
      %select_n3A_317 = arith.select %eq3A_310, %add3A_314, %broadcast_in_dim3A_316 : vector<16xi1>, vector<16xi32>
      %reduce_min3A = arith.constant true
      %reduce_min3A_318 = vector.broadcast %reduce_min3A : i1 to vector<16xi1>
      %reduce_min3A_319 = arith.constant -2147483648 : i32
      %reduce_min3A_320 = vector.broadcast %reduce_min3A_319 : i32 to vector<16xi32>
      %reduce_min3A_321 = arith.xori %select_n3A_317, %reduce_min3A_320 : vector<16xi32>
      %reduce_min3A_322 = tpu.scan <min>, %reduce_min3A_321 masked %reduce_min3A_318 : vector<16xi32>, vector<16xi1> -> vector<16xi32>
      %reduce_min3A_323 = arith.xori %reduce_min3A_322, %reduce_min3A_320 : vector<16xi32>
      %reduce_min3A_324 = vector.extract %reduce_min3A_323[15] : i32 from vector<16xi32>
      %min3A = arith.minsi %scan3A_304, %reduce_min3A_324 : i32
      scf.yield %min3A : i32
    }
    %scan3A_266 = arith.constant 128 : i32
    %and3A_267 = arith.constant -16 : i32
    %and3A_268 = arith.andi %scan3A_265, %and3A_267 : i32
    %get3A_269 = arith.index_cast %and3A_268 : i32 to index
    %get3A_270 = tpu.vector_load %arg5[%get3A_269] {strides = array<i32>} : memref<2048xf32, #tpu.memory_space<vmem>>, vector<16xf32>,
    %add3A_271 = vector.broadcast %and3A_268 : i32 to vector<16xi32>
    %add3A_272 = arith.addi %add3A_271, %iota3A : vector<16xi32>
    %eq3A_273 = vector.broadcast %scan3A_265 : i32 to vector<16xi32>
    %eq3A_274 = arith.cmpi eq, %add3A_272, %eq3A_273 : vector<16xi32>
    %jit3A_275 = arith.constant 0xFF800000 : f32
    %broadcast_in_dim3A_276 = vector.broadcast %jit3A_275 : f32 to vector<16xf32>
    %select_n3A_277 = arith.select %eq3A_274, %broadcast_in_dim3A_276, %get3A_270 : vector<16xi1>, vector<16xf32>
    %swap3A_278 = arith.index_cast %and3A_268 : i32 to index
    %swap3A_279 = tpu.vector_load %arg5[%swap3A_278] {strides = array<i32>} : memref<2048xf32, #tpu.memory_space<vmem>>, vector<16xf32>,
    tpu.vector_store %arg5[%swap3A_278], %select_n3A_277 {strides = array<i32>} : memref<2048xf32, #tpu.memory_space<vmem>>, vector<16xf32>,
    %eq3A_280 = arith.constant 6 : i32
    %eq3A_281 = vector.broadcast %eq3A_280 : i32 to vector<16xi32>
    %eq3A_282 = arith.cmpi eq, %iota3A, %eq3A_281 : vector<16xi32>
    %broadcast_in_dim3A_283 = vector.broadcast %scan3A_265 : i32 to vector<16xi32>
    %select_n3A_284 = arith.select %eq3A_282, %broadcast_in_dim3A_283, %select_n3A_242 : vector<16xi1>, vector<16xi32>
    %eq3A_285 = arith.constant 6 : i32
    %eq3A_286 = vector.broadcast %eq3A_285 : i32 to vector<16xi32>
    %eq3A_287 = arith.cmpi eq, %iota3A, %eq3A_286 : vector<16xi32>
    %broadcast_in_dim3A_288 = vector.broadcast %reduce_max3A_259 : f32 to vector<16xf32>
    %select_n3A_289 = arith.select %eq3A_287, %broadcast_in_dim3A_288, %select_n3A_247 : vector<16xi1>, vector<16xf32>
    %sub3A = vector.broadcast %reduce_max3A_13 : f32 to vector<16xf32>
    %sub3A_290 = arith.subf %select_n3A_289, %sub3A : vector<16xf32>
    %exp3A = math.exp %sub3A_290 : vector<16xf32>
    %reduce_sum3A = arith.constant true
    %reduce_sum3A_291 = vector.broadcast %reduce_sum3A : i1 to vector<16xi1>
    %reduce_sum3A_292 = tpu.scan <sum>, %exp3A masked %reduce_sum3A_291 : vector<16xf32>, vector<16xi1> -> vector<16xf32>
    %reduce_sum3A_293 = vector.extract %reduce_sum3A_292[15] : f32 from vector<16xf32>
    %eq3A_294 = arith.constant 7 : i32
    %eq3A_295 = vector.broadcast %eq3A_294 : i32 to vector<16xi32>
    %eq3A_296 = arith.cmpi eq, %iota3A, %eq3A_295 : vector<16xi32>
    %broadcast_in_dim3A_297 = vector.broadcast %reduce_sum3A_293 : f32 to vector<16xf32>
    %select_n3A_298 = arith.select %eq3A_296, %broadcast_in_dim3A_297, %exp3A : vector<16xi1>, vector<16xf32>
    %swap3A_299 = arith.constant 0 : index
    %swap3A_300 = tpu.vector_load %arg6[%swap3A_299] {strides = array<i32>} : memref<16xi32, #tpu.memory_space<vmem>>, vector<16xi32>,
    tpu.vector_store %arg6[%swap3A_299], %select_n3A_284 {strides = array<i32>} : memref<16xi32, #tpu.memory_space<vmem>>, vector<16xi32>,
    %swap3A_301 = arith.constant 0 : index
    %swap3A_302 = tpu.vector_load %arg7[%swap3A_301] {strides = array<i32>} : memref<16xf32, #tpu.memory_space<vmem>>, vector<16xf32>,
    tpu.vector_store %arg7[%swap3A_301], %select_n3A_298 {strides = array<i32>} : memref<16xf32, #tpu.memory_space<vmem>>, vector<16xf32>,
    "tpu.region"() ({
      %run_scoped3A = tpu.sem_alloc : memref<!tpu.dma_semaphore, #tpu.memory_space<semaphore_mem>>
      %dma_start3A = arith.constant 0 : i32
      %dma_start3A_303 = tpu.memref_slice %arg3[%add3A, %dma_start3A] : memref<32x16xi32, #tpu.memory_space<hbm>> -> memref<1x16xi32, #tpu.memory_space<hbm>>
      %dma_start3A_304 = tpu.memref_squeeze %dma_start3A_303 : memref<1x16xi32, #tpu.memory_space<hbm>> -> memref<16xi32, #tpu.memory_space<hbm>>
      %dma_start3A_305 = arith.constant 0 : i32
      %dma_start3A_306 = tpu.memref_slice %arg3[%add3A, %dma_start3A_305] : memref<32x16xi32, #tpu.memory_space<hbm>> -> memref<1x16xi32, #tpu.memory_space<hbm>>
      %dma_start3A_307 = tpu.memref_squeeze %dma_start3A_306 : memref<1x16xi32, #tpu.memory_space<hbm>> -> memref<16xi32, #tpu.memory_space<hbm>>
      tpu.enqueue_dma source(%arg6 : memref<16xi32, #tpu.memory_space<vmem>>) target(%dma_start3A_307 : memref<16xi32, #tpu.memory_space<hbm>>) target_semaphore(%run_scoped3A : memref<!tpu.dma_semaphore, #tpu.memory_space<semaphore_mem>>)
      %dma_wait3A = arith.constant 0 : i32
      %dma_wait3A_308 = tpu.memref_slice %arg3[%add3A, %dma_wait3A] : memref<32x16xi32, #tpu.memory_space<hbm>> -> memref<1x16xi32, #tpu.memory_space<hbm>>
      %dma_wait3A_309 = tpu.memref_squeeze %dma_wait3A_308 : memref<1x16xi32, #tpu.memory_space<hbm>> -> memref<16xi32, #tpu.memory_space<hbm>>
      %dma_wait3A_310 = arith.constant 0 : i32
      %dma_wait3A_311 = tpu.memref_slice %arg3[%add3A, %dma_wait3A_310] : memref<32x16xi32, #tpu.memory_space<hbm>> -> memref<1x16xi32, #tpu.memory_space<hbm>>
      %dma_wait3A_312 = tpu.memref_squeeze %dma_wait3A_311 : memref<1x16xi32, #tpu.memory_space<hbm>> -> memref<16xi32, #tpu.memory_space<hbm>>
      tpu.wait_dma2 semaphore(%run_scoped3A : memref<!tpu.dma_semaphore, #tpu.memory_space<semaphore_mem>>) src(%arg6 : memref<16xi32, #tpu.memory_space<vmem>>) dst(%dma_wait3A_312 : memref<16xi32, #tpu.memory_space<hbm>>)
      tpu.yield
    }) : () -> ()
    "tpu.region"() ({
      %run_scoped3A = tpu.sem_alloc : memref<!tpu.dma_semaphore, #tpu.memory_space<semaphore_mem>>
      %dma_start3A = arith.constant 0 : i32
      %dma_start3A_303 = tpu.memref_slice %arg4[%add3A, %dma_start3A] : memref<32x16xf32, #tpu.memory_space<hbm>> -> memref<1x16xf32, #tpu.memory_space<hbm>>
      %dma_start3A_304 = tpu.memref_squeeze %dma_start3A_303 : memref<1x16xf32, #tpu.memory_space<hbm>> -> memref<16xf32, #tpu.memory_space<hbm>>
      %dma_start3A_305 = arith.constant 0 : i32
      %dma_start3A_306 = tpu.memref_slice %arg4[%add3A, %dma_start3A_305] : memref<32x16xf32, #tpu.memory_space<hbm>> -> memref<1x16xf32, #tpu.memory_space<hbm>>
      %dma_start3A_307 = tpu.memref_squeeze %dma_start3A_306 : memref<1x16xf32, #tpu.memory_space<hbm>> -> memref<16xf32, #tpu.memory_space<hbm>>
      tpu.enqueue_dma source(%arg7 : memref<16xf32, #tpu.memory_space<vmem>>) target(%dma_start3A_307 : memref<16xf32, #tpu.memory_space<hbm>>) target_semaphore(%run_scoped3A : memref<!tpu.dma_semaphore, #tpu.memory_space<semaphore_mem>>)
      %dma_wait3A = arith.constant 0 : i32
      %dma_wait3A_308 = tpu.memref_slice %arg4[%add3A, %dma_wait3A] : memref<32x16xf32, #tpu.memory_space<hbm>> -> memref<1x16xf32, #tpu.memory_space<hbm>>
      %dma_wait3A_309 = tpu.memref_squeeze %dma_wait3A_308 : memref<1x16xf32, #tpu.memory_space<hbm>> -> memref<16xf32, #tpu.memory_space<hbm>>
      %dma_wait3A_310 = arith.constant 0 : i32
      %dma_wait3A_311 = tpu.memref_slice %arg4[%add3A, %dma_wait3A_310] : memref<32x16xf32, #tpu.memory_space<hbm>> -> memref<1x16xf32, #tpu.memory_space<hbm>>
      %dma_wait3A_312 = tpu.memref_squeeze %dma_wait3A_311 : memref<1x16xf32, #tpu.memory_space<hbm>> -> memref<16xf32, #tpu.memory_space<hbm>>
      tpu.wait_dma2 semaphore(%run_scoped3A : memref<!tpu.dma_semaphore, #tpu.memory_space<semaphore_mem>>) src(%arg7 : memref<16xf32, #tpu.memory_space<vmem>>) dst(%dma_wait3A_312 : memref<16xf32, #tpu.memory_space<hbm>>)
      tpu.yield
    }) : () -> ()
    return
  }
}

module attributes {stable_mosaic.version = 14 : i64} {
  func.func @_proj_body(%arg0: i32, %arg1: memref<256x2x1024xf32, #tpu.memory_space<vmem>>, %arg2: memref<256x2x1024xf32, #tpu.memory_space<vmem>>, %arg3: memref<256x2x1024xf32, #tpu.memory_space<vmem>>, %arg4: memref<1024x1024xf32, #tpu.memory_space<vmem>>, %arg5: memref<1024x1024xf32, #tpu.memory_space<vmem>>, %arg6: memref<1024x1024xf32, #tpu.memory_space<vmem>>, %arg7: memref<1x1024xf32, #tpu.memory_space<vmem>>, %arg8: memref<1x1024xf32, #tpu.memory_space<vmem>>, %arg9: memref<1x1024xf32, #tpu.memory_space<vmem>>, %arg10: memref<256x2x1024xf32, #tpu.memory_space<vmem>>, %arg11: memref<256x2x1024xf32, #tpu.memory_space<vmem>>, %arg12: memref<256x2x1024xf32, #tpu.memory_space<vmem>>) attributes {dimension_semantics = [#tpu.dimension_semantics<arbitrary>], iteration_bounds = array<i64: 8>, scalar_prefetch = 0 : i64, scratch_operands = 0 : i64, tpu.core_type = #tpu.core_type<tc>, window_params = [{transform_indices = @transform_0, window_bounds = array<i64: 256, 2, 1024>}, {transform_indices = @transform_1, window_bounds = array<i64: 256, 2, 1024>}, {transform_indices = @transform_2, window_bounds = array<i64: 256, 2, 1024>}, {pipeline_mode = #tpu.pipeline_mode<synchronous>, transform_indices = @transform_3, window_bounds = array<i64: 1024, 1024>}, {pipeline_mode = #tpu.pipeline_mode<synchronous>, transform_indices = @transform_4, window_bounds = array<i64: 1024, 1024>}, {pipeline_mode = #tpu.pipeline_mode<synchronous>, transform_indices = @transform_5, window_bounds = array<i64: 1024, 1024>}, {pipeline_mode = #tpu.pipeline_mode<synchronous>, transform_indices = @transform_6, window_bounds = array<i64: 1, 1024>}, {pipeline_mode = #tpu.pipeline_mode<synchronous>, transform_indices = @transform_7, window_bounds = array<i64: 1, 1024>}, {pipeline_mode = #tpu.pipeline_mode<synchronous>, transform_indices = @transform_8, window_bounds = array<i64: 1, 1024>}, {transform_indices = @transform_9, window_bounds = array<i64: 256, 2, 1024>}, {transform_indices = @transform_10, window_bounds = array<i64: 256, 2, 1024>}, {transform_indices = @transform_11, window_bounds = array<i64: 256, 2, 1024>}]} {
    %get3A = arith.constant 0 : index
    %get3A_0 = arith.constant 0 : index
    %get3A_1 = arith.constant 0 : index
    %get3A_2 = vector.load %arg1[%get3A, %get3A_0, %get3A_1] : memref<256x2x1024xf32, #tpu.memory_space<vmem>>, vector<256x2x1024xf32>
    %reshape3A = vector.shape_cast %get3A_2 : vector<256x2x1024xf32> to vector<512x1024xf32>
    %get3A_3 = arith.constant 0 : index
    %get3A_4 = arith.constant 0 : index
    %get3A_5 = vector.load %arg4[%get3A_3, %get3A_4] : memref<1024x1024xf32, #tpu.memory_space<vmem>>, vector<1024x1024xf32>
    %convert_element_type3A = arith.truncf %reshape3A : vector<512x1024xf32> to vector<512x1024xbf16>
    %convert_element_type3A_6 = arith.truncf %get3A_5 : vector<1024x1024xf32> to vector<1024x1024xbf16>
    %dot_general3A = arith.constant dense<0.000000e+00> : vector<512x1024xf32>
    %dot_general3A_7 = tpu.matmul %convert_element_type3A, %convert_element_type3A_6, %dot_general3A {dimension_numbers = #tpu.dot_dimension_numbers<[1], [0], [0], [1], [0, 0, 1, 1], [], []>, transpose_lhs_hint = false} : vector<512x1024xbf16>, vector<1024x1024xbf16>, vector<512x1024xf32> -> vector<512x1024xf32>
    %get3A_8 = arith.constant 0 : index
    %get3A_9 = arith.constant 0 : index
    %get3A_10 = vector.load %arg7[%get3A_8, %get3A_9] : memref<1x1024xf32, #tpu.memory_space<vmem>>, vector<1x1024xf32>
    %get3A_11 = vector.shape_cast %get3A_10 : vector<1x1024xf32> to vector<1024xf32>
    %broadcast_in_dim3A = vector.shape_cast %get3A_11 : vector<1024xf32> to vector<1x1024xf32>
    %add3A = vector.broadcast %broadcast_in_dim3A : vector<1x1024xf32> to vector<512x1024xf32>
    %add3A_12 = arith.addf %dot_general3A_7, %add3A : vector<512x1024xf32>
    %reshape3A_13 = vector.shape_cast %add3A_12 : vector<512x1024xf32> to vector<256x2x1024xf32>
    %swap3A = arith.constant 0 : index
    %swap3A_14 = arith.constant 0 : index
    %swap3A_15 = arith.constant 0 : index
    %swap3A_16 = vector.load %arg10[%swap3A, %swap3A_14, %swap3A_15] : memref<256x2x1024xf32, #tpu.memory_space<vmem>>, vector<256x2x1024xf32>
    tpu.vector_store %arg10[%swap3A, %swap3A_14, %swap3A_15], %reshape3A_13 {strides = array<i32>} : memref<256x2x1024xf32, #tpu.memory_space<vmem>>, vector<256x2x1024xf32>,
    %get3A_17 = arith.constant 0 : index
    %get3A_18 = arith.constant 0 : index
    %get3A_19 = arith.constant 0 : index
    %get3A_20 = vector.load %arg2[%get3A_17, %get3A_18, %get3A_19] : memref<256x2x1024xf32, #tpu.memory_space<vmem>>, vector<256x2x1024xf32>
    %reshape3A_21 = vector.shape_cast %get3A_20 : vector<256x2x1024xf32> to vector<512x1024xf32>
    %get3A_22 = arith.constant 0 : index
    %get3A_23 = arith.constant 0 : index
    %get3A_24 = vector.load %arg5[%get3A_22, %get3A_23] : memref<1024x1024xf32, #tpu.memory_space<vmem>>, vector<1024x1024xf32>
    %convert_element_type3A_25 = arith.truncf %reshape3A_21 : vector<512x1024xf32> to vector<512x1024xbf16>
    %convert_element_type3A_26 = arith.truncf %get3A_24 : vector<1024x1024xf32> to vector<1024x1024xbf16>
    %dot_general3A_27 = arith.constant dense<0.000000e+00> : vector<512x1024xf32>
    %dot_general3A_28 = tpu.matmul %convert_element_type3A_25, %convert_element_type3A_26, %dot_general3A_27 {dimension_numbers = #tpu.dot_dimension_numbers<[1], [0], [0], [1], [0, 0, 1, 1], [], []>, transpose_lhs_hint = false} : vector<512x1024xbf16>, vector<1024x1024xbf16>, vector<512x1024xf32> -> vector<512x1024xf32>
    %get3A_29 = arith.constant 0 : index
    %get3A_30 = arith.constant 0 : index
    %get3A_31 = vector.load %arg8[%get3A_29, %get3A_30] : memref<1x1024xf32, #tpu.memory_space<vmem>>, vector<1x1024xf32>
    %get3A_32 = vector.shape_cast %get3A_31 : vector<1x1024xf32> to vector<1024xf32>
    %broadcast_in_dim3A_33 = vector.shape_cast %get3A_32 : vector<1024xf32> to vector<1x1024xf32>
    %add3A_34 = vector.broadcast %broadcast_in_dim3A_33 : vector<1x1024xf32> to vector<512x1024xf32>
    %add3A_35 = arith.addf %dot_general3A_28, %add3A_34 : vector<512x1024xf32>
    %reshape3A_36 = vector.shape_cast %add3A_35 : vector<512x1024xf32> to vector<256x2x1024xf32>
    %swap3A_37 = arith.constant 0 : index
    %swap3A_38 = arith.constant 0 : index
    %swap3A_39 = arith.constant 0 : index
    %swap3A_40 = vector.load %arg11[%swap3A_37, %swap3A_38, %swap3A_39] : memref<256x2x1024xf32, #tpu.memory_space<vmem>>, vector<256x2x1024xf32>
    tpu.vector_store %arg11[%swap3A_37, %swap3A_38, %swap3A_39], %reshape3A_36 {strides = array<i32>} : memref<256x2x1024xf32, #tpu.memory_space<vmem>>, vector<256x2x1024xf32>,
    %get3A_41 = arith.constant 0 : index
    %get3A_42 = arith.constant 0 : index
    %get3A_43 = arith.constant 0 : index
    %get3A_44 = vector.load %arg3[%get3A_41, %get3A_42, %get3A_43] : memref<256x2x1024xf32, #tpu.memory_space<vmem>>, vector<256x2x1024xf32>
    %reshape3A_45 = vector.shape_cast %get3A_44 : vector<256x2x1024xf32> to vector<512x1024xf32>
    %get3A_46 = arith.constant 0 : index
    %get3A_47 = arith.constant 0 : index
    %get3A_48 = vector.load %arg6[%get3A_46, %get3A_47] : memref<1024x1024xf32, #tpu.memory_space<vmem>>, vector<1024x1024xf32>
    %convert_element_type3A_49 = arith.truncf %reshape3A_45 : vector<512x1024xf32> to vector<512x1024xbf16>
    %convert_element_type3A_50 = arith.truncf %get3A_48 : vector<1024x1024xf32> to vector<1024x1024xbf16>
    %dot_general3A_51 = arith.constant dense<0.000000e+00> : vector<512x1024xf32>
    %dot_general3A_52 = tpu.matmul %convert_element_type3A_49, %convert_element_type3A_50, %dot_general3A_51 {dimension_numbers = #tpu.dot_dimension_numbers<[1], [0], [0], [1], [0, 0, 1, 1], [], []>, transpose_lhs_hint = false} : vector<512x1024xbf16>, vector<1024x1024xbf16>, vector<512x1024xf32> -> vector<512x1024xf32>
    %get3A_53 = arith.constant 0 : index
    %get3A_54 = arith.constant 0 : index
    %get3A_55 = vector.load %arg9[%get3A_53, %get3A_54] : memref<1x1024xf32, #tpu.memory_space<vmem>>, vector<1x1024xf32>
    %get3A_56 = vector.shape_cast %get3A_55 : vector<1x1024xf32> to vector<1024xf32>
    %broadcast_in_dim3A_57 = vector.shape_cast %get3A_56 : vector<1024xf32> to vector<1x1024xf32>
    %add3A_58 = vector.broadcast %broadcast_in_dim3A_57 : vector<1x1024xf32> to vector<512x1024xf32>
    %add3A_59 = arith.addf %dot_general3A_52, %add3A_58 : vector<512x1024xf32>
    %reshape3A_60 = vector.shape_cast %add3A_59 : vector<512x1024xf32> to vector<256x2x1024xf32>
    %swap3A_61 = arith.constant 0 : index
    %swap3A_62 = arith.constant 0 : index
    %swap3A_63 = arith.constant 0 : index
    %swap3A_64 = vector.load %arg12[%swap3A_61, %swap3A_62, %swap3A_63] : memref<256x2x1024xf32, #tpu.memory_space<vmem>>, vector<256x2x1024xf32>
    tpu.vector_store %arg12[%swap3A_61, %swap3A_62, %swap3A_63], %reshape3A_60 {strides = array<i32>} : memref<256x2x1024xf32, #tpu.memory_space<vmem>>, vector<256x2x1024xf32>,
    return
  }
  func.func @transform_0(%arg0: i32) -> (i32, i32, i32) {
    %c0_i32 = arith.constant 0 : i32
    %c0_i32_0 = arith.constant 0 : i32
    %c0_i32_1 = arith.constant 0 : i32
    return %arg0, %c0_i32, %c0_i32_0 : i32, i32, i32
  }
  func.func @transform_1(%arg0: i32) -> (i32, i32, i32) {
    %c0_i32 = arith.constant 0 : i32
    %c0_i32_0 = arith.constant 0 : i32
    %c0_i32_1 = arith.constant 0 : i32
    return %arg0, %c0_i32, %c0_i32_0 : i32, i32, i32
  }
  func.func @transform_2(%arg0: i32) -> (i32, i32, i32) {
    %c0_i32 = arith.constant 0 : i32
    %c0_i32_0 = arith.constant 0 : i32
    %c0_i32_1 = arith.constant 0 : i32
    return %arg0, %c0_i32, %c0_i32_0 : i32, i32, i32
  }
  func.func @transform_3(%arg0: i32) -> (i32, i32) {
    %c0_i32 = arith.constant 0 : i32
    %c0_i32_0 = arith.constant 0 : i32
    %c0_i32_1 = arith.constant 0 : i32
    return %c0_i32, %c0_i32_0 : i32, i32
  }
  func.func @transform_4(%arg0: i32) -> (i32, i32) {
    %c0_i32 = arith.constant 0 : i32
    %c0_i32_0 = arith.constant 0 : i32
    %c0_i32_1 = arith.constant 0 : i32
    return %c0_i32, %c0_i32_0 : i32, i32
  }
  func.func @transform_5(%arg0: i32) -> (i32, i32) {
    %c0_i32 = arith.constant 0 : i32
    %c0_i32_0 = arith.constant 0 : i32
    %c0_i32_1 = arith.constant 0 : i32
    return %c0_i32, %c0_i32_0 : i32, i32
  }
  func.func @transform_6(%arg0: i32) -> (i32, i32) {
    %c0_i32 = arith.constant 0 : i32
    %c0_i32_0 = arith.constant 0 : i32
    %c0_i32_1 = arith.constant 0 : i32
    return %c0_i32, %c0_i32_0 : i32, i32
  }
  func.func @transform_7(%arg0: i32) -> (i32, i32) {
    %c0_i32 = arith.constant 0 : i32
    %c0_i32_0 = arith.constant 0 : i32
    %c0_i32_1 = arith.constant 0 : i32
    return %c0_i32, %c0_i32_0 : i32, i32
  }
  func.func @transform_8(%arg0: i32) -> (i32, i32) {
    %c0_i32 = arith.constant 0 : i32
    %c0_i32_0 = arith.constant 0 : i32
    %c0_i32_1 = arith.constant 0 : i32
    return %c0_i32, %c0_i32_0 : i32, i32
  }
  func.func @transform_9(%arg0: i32) -> (i32, i32, i32) {
    %c0_i32 = arith.constant 0 : i32
    %c0_i32_0 = arith.constant 0 : i32
    %c0_i32_1 = arith.constant 0 : i32
    return %arg0, %c0_i32, %c0_i32_0 : i32, i32, i32
  }
  func.func @transform_10(%arg0: i32) -> (i32, i32, i32) {
    %c0_i32 = arith.constant 0 : i32
    %c0_i32_0 = arith.constant 0 : i32
    %c0_i32_1 = arith.constant 0 : i32
    return %arg0, %c0_i32, %c0_i32_0 : i32, i32, i32
  }
  func.func @transform_11(%arg0: i32) -> (i32, i32, i32) {
    %c0_i32 = arith.constant 0 : i32
    %c0_i32_0 = arith.constant 0 : i32
    %c0_i32_1 = arith.constant 0 : i32
    return %arg0, %c0_i32, %c0_i32_0 : i32, i32, i32
  }
}

module attributes {stable_mosaic.version = 14 : i64} {
  func.func @_spec_body(%arg0: i32, %arg1: memref<2048x2x128xf32, #tpu.memory_space<vmem>>, %arg2: memref<2048x2x128xf32, #tpu.memory_space<vmem>>, %arg3: memref<1024x2048xbf16, #tpu.memory_space<vmem>>, %arg4: memref<1024x2048xbf16, #tpu.memory_space<vmem>>, %arg5: memref<1024x2048xbf16, #tpu.memory_space<vmem>>, %arg6: memref<1024x2048xbf16, #tpu.memory_space<vmem>>, %arg7: memref<1x4x8x1024xf32, #tpu.memory_space<vmem>>) attributes {dimension_semantics = [#tpu.dimension_semantics<arbitrary>], iteration_bounds = array<i64: 8>, scalar_prefetch = 0 : i64, scratch_operands = 0 : i64, tpu.core_type = #tpu.core_type<tc>, window_params = [{transform_indices = @transform_0, window_bounds = array<i64: 2048, 2, 128>}, {transform_indices = @transform_1, window_bounds = array<i64: 2048, 2, 128>}, {pipeline_mode = #tpu.pipeline_mode<synchronous>, transform_indices = @transform_2, window_bounds = array<i64: 1024, 2048>}, {pipeline_mode = #tpu.pipeline_mode<synchronous>, transform_indices = @transform_3, window_bounds = array<i64: 1024, 2048>}, {pipeline_mode = #tpu.pipeline_mode<synchronous>, transform_indices = @transform_4, window_bounds = array<i64: 1024, 2048>}, {pipeline_mode = #tpu.pipeline_mode<synchronous>, transform_indices = @transform_5, window_bounds = array<i64: 1024, 2048>}, {transform_indices = @transform_6, window_bounds = array<i64: 1, 4, 8, 1024>}]} {
    %get3A = arith.constant 0 : index
    %get3A_0 = arith.constant 0 : index
    %get3A_1 = arith.constant 0 : index
    %get3A_2 = vector.load %arg1[%get3A, %get3A_0, %get3A_1] : memref<2048x2x128xf32, #tpu.memory_space<vmem>>, vector<2048x2x128xf32>
    %reshape3A = vector.shape_cast %get3A_2 : vector<2048x2x128xf32> to vector<2048x256xf32>
    %get3A_3 = arith.constant 0 : index
    %get3A_4 = arith.constant 0 : index
    %get3A_5 = arith.constant 0 : index
    %get3A_6 = vector.load %arg2[%get3A_3, %get3A_4, %get3A_5] : memref<2048x2x128xf32, #tpu.memory_space<vmem>>, vector<2048x2x128xf32>
    %reshape3A_7 = vector.shape_cast %get3A_6 : vector<2048x2x128xf32> to vector<2048x256xf32>
    %convert_element_type3A = arith.truncf %reshape3A : vector<2048x256xf32> to vector<2048x256xbf16>
    %convert_element_type3A_8 = arith.extf %convert_element_type3A : vector<2048x256xbf16> to vector<2048x256xf32>
    %sub3A = arith.subf %reshape3A, %convert_element_type3A_8 : vector<2048x256xf32>
    %convert_element_type3A_9 = arith.truncf %sub3A : vector<2048x256xf32> to vector<2048x256xbf16>
    %convert_element_type3A_10 = arith.truncf %reshape3A_7 : vector<2048x256xf32> to vector<2048x256xbf16>
    %convert_element_type3A_11 = arith.extf %convert_element_type3A_10 : vector<2048x256xbf16> to vector<2048x256xf32>
    %sub3A_12 = arith.subf %reshape3A_7, %convert_element_type3A_11 : vector<2048x256xf32>
    %convert_element_type3A_13 = arith.truncf %sub3A_12 : vector<2048x256xf32> to vector<2048x256xbf16>
    %concatenate3A = tpu.concatenate %convert_element_type3A, %convert_element_type3A_10 in 1 : vector<2048x256xbf16>, vector<2048x256xbf16> -> vector<2048x512xbf16>
    %concatenate3A_14 = tpu.concatenate %convert_element_type3A_9, %convert_element_type3A_13 in 1 : vector<2048x256xbf16>, vector<2048x256xbf16> -> vector<2048x512xbf16>
    %get3A_15 = arith.constant 0 : index
    %get3A_16 = arith.constant 0 : index
    %get3A_17 = vector.load %arg3[%get3A_15, %get3A_16] : memref<1024x2048xbf16, #tpu.memory_space<vmem>>, vector<1024x2048xbf16>
    %get3A_18 = arith.constant 0 : index
    %get3A_19 = arith.constant 0 : index
    %get3A_20 = vector.load %arg4[%get3A_18, %get3A_19] : memref<1024x2048xbf16, #tpu.memory_space<vmem>>, vector<1024x2048xbf16>
    %dot_general3A = arith.constant dense<0.000000e+00> : vector<1024x512xf32>
    %dot_general3A_21 = tpu.matmul %get3A_17, %concatenate3A, %dot_general3A {dimension_numbers = #tpu.dot_dimension_numbers<[1], [0], [0], [1], [0, 0, 1, 1], [], []>, transpose_lhs_hint = false} : vector<1024x2048xbf16>, vector<2048x512xbf16>, vector<1024x512xf32> -> vector<1024x512xf32>
    %dot_general3A_22 = arith.constant dense<0.000000e+00> : vector<1024x512xf32>
    %dot_general3A_23 = tpu.matmul %get3A_17, %concatenate3A_14, %dot_general3A_22 {dimension_numbers = #tpu.dot_dimension_numbers<[1], [0], [0], [1], [0, 0, 1, 1], [], []>, transpose_lhs_hint = false} : vector<1024x2048xbf16>, vector<2048x512xbf16>, vector<1024x512xf32> -> vector<1024x512xf32>
    %add3A = arith.addf %dot_general3A_21, %dot_general3A_23 : vector<1024x512xf32>
    %dot_general3A_24 = arith.constant dense<0.000000e+00> : vector<1024x512xf32>
    %dot_general3A_25 = tpu.matmul %get3A_20, %concatenate3A, %dot_general3A_24 {dimension_numbers = #tpu.dot_dimension_numbers<[1], [0], [0], [1], [0, 0, 1, 1], [], []>, transpose_lhs_hint = false} : vector<1024x2048xbf16>, vector<2048x512xbf16>, vector<1024x512xf32> -> vector<1024x512xf32>
    %add3A_26 = arith.addf %add3A, %dot_general3A_25 : vector<1024x512xf32>
    %dot_general3A_27 = arith.constant dense<0.000000e+00> : vector<1024x512xf32>
    %dot_general3A_28 = tpu.matmul %get3A_20, %concatenate3A_14, %dot_general3A_27 {dimension_numbers = #tpu.dot_dimension_numbers<[1], [0], [0], [1], [0, 0, 1, 1], [], []>, transpose_lhs_hint = false} : vector<1024x2048xbf16>, vector<2048x512xbf16>, vector<1024x512xf32> -> vector<1024x512xf32>
    %add3A_29 = arith.addf %add3A_26, %dot_general3A_28 : vector<1024x512xf32>
    %get3A_30 = arith.constant 0 : index
    %get3A_31 = arith.constant 0 : index
    %get3A_32 = vector.load %arg5[%get3A_30, %get3A_31] : memref<1024x2048xbf16, #tpu.memory_space<vmem>>, vector<1024x2048xbf16>
    %get3A_33 = arith.constant 0 : index
    %get3A_34 = arith.constant 0 : index
    %get3A_35 = vector.load %arg6[%get3A_33, %get3A_34] : memref<1024x2048xbf16, #tpu.memory_space<vmem>>, vector<1024x2048xbf16>
    %dot_general3A_36 = arith.constant dense<0.000000e+00> : vector<1024x512xf32>
    %dot_general3A_37 = tpu.matmul %get3A_32, %concatenate3A, %dot_general3A_36 {dimension_numbers = #tpu.dot_dimension_numbers<[1], [0], [0], [1], [0, 0, 1, 1], [], []>, transpose_lhs_hint = false} : vector<1024x2048xbf16>, vector<2048x512xbf16>, vector<1024x512xf32> -> vector<1024x512xf32>
    %dot_general3A_38 = arith.constant dense<0.000000e+00> : vector<1024x512xf32>
    %dot_general3A_39 = tpu.matmul %get3A_32, %concatenate3A_14, %dot_general3A_38 {dimension_numbers = #tpu.dot_dimension_numbers<[1], [0], [0], [1], [0, 0, 1, 1], [], []>, transpose_lhs_hint = false} : vector<1024x2048xbf16>, vector<2048x512xbf16>, vector<1024x512xf32> -> vector<1024x512xf32>
    %add3A_40 = arith.addf %dot_general3A_37, %dot_general3A_39 : vector<1024x512xf32>
    %dot_general3A_41 = arith.constant dense<0.000000e+00> : vector<1024x512xf32>
    %dot_general3A_42 = tpu.matmul %get3A_35, %concatenate3A, %dot_general3A_41 {dimension_numbers = #tpu.dot_dimension_numbers<[1], [0], [0], [1], [0, 0, 1, 1], [], []>, transpose_lhs_hint = false} : vector<1024x2048xbf16>, vector<2048x512xbf16>, vector<1024x512xf32> -> vector<1024x512xf32>
    %add3A_43 = arith.addf %add3A_40, %dot_general3A_42 : vector<1024x512xf32>
    %dot_general3A_44 = arith.constant dense<0.000000e+00> : vector<1024x512xf32>
    %dot_general3A_45 = tpu.matmul %get3A_35, %concatenate3A_14, %dot_general3A_44 {dimension_numbers = #tpu.dot_dimension_numbers<[1], [0], [0], [1], [0, 0, 1, 1], [], []>, transpose_lhs_hint = false} : vector<1024x2048xbf16>, vector<2048x512xbf16>, vector<1024x512xf32> -> vector<1024x512xf32>
    %add3A_46 = arith.addf %add3A_43, %dot_general3A_45 : vector<1024x512xf32>
    %slice3A = vector.extract_strided_slice %add3A_29 {offsets = [0, 0], sizes = [1024, 256], strides = [1, 1]} : vector<1024x512xf32> to vector<1024x256xf32>
    %slice3A_47 = vector.extract_strided_slice %add3A_29 {offsets = [0, 256], sizes = [1024, 256], strides = [1, 1]} : vector<1024x512xf32> to vector<1024x256xf32>
    %slice3A_48 = vector.extract_strided_slice %add3A_46 {offsets = [0, 0], sizes = [1024, 256], strides = [1, 1]} : vector<1024x512xf32> to vector<1024x256xf32>
    %slice3A_49 = vector.extract_strided_slice %add3A_46 {offsets = [0, 256], sizes = [1024, 256], strides = [1, 1]} : vector<1024x512xf32> to vector<1024x256xf32>
    %mul3A = arith.mulf %slice3A, %slice3A_47 : vector<1024x256xf32>
    %mul3A_50 = arith.mulf %slice3A_48, %slice3A_49 : vector<1024x256xf32>
    %add3A_51 = arith.addf %mul3A, %mul3A_50 : vector<1024x256xf32>
    %mul3A_52 = arith.mulf %slice3A, %slice3A_49 : vector<1024x256xf32>
    %mul3A_53 = arith.mulf %slice3A_48, %slice3A_47 : vector<1024x256xf32>
    %sub3A_54 = arith.subf %mul3A_52, %mul3A_53 : vector<1024x256xf32>
    %iota3A = tpu.iota {dimensions = array<i32: 0>} : vector<2048x256xi32>
    %and3A = arith.constant 1 : i32
    %and3A_55 = vector.broadcast %and3A : i32 to vector<2048x256xi32>
    %and3A_56 = arith.andi %iota3A, %and3A_55 : vector<2048x256xi32>
    %eq3A = arith.constant 0 : i32
    %eq3A_57 = vector.broadcast %eq3A : i32 to vector<2048x256xi32>
    %eq3A_58 = arith.cmpi eq, %and3A_56, %eq3A_57 : vector<2048x256xi32>
    %jit3A = arith.constant 1.000000e+00 : f32
    %jit3A_59 = arith.constant -1.000000e+00 : f32
    %broadcast_in_dim3A = vector.broadcast %jit3A : f32 to vector<2048x256xf32>
    %broadcast_in_dim3A_60 = vector.broadcast %jit3A_59 : f32 to vector<2048x256xf32>
    %select_n3A = arith.select %eq3A_58, %broadcast_in_dim3A, %broadcast_in_dim3A_60 : vector<2048x256xi1>, vector<2048x256xf32>
    %mul3A_61 = arith.mulf %reshape3A, %select_n3A : vector<2048x256xf32>
    %reduce_sum3A = arith.constant dense<0.000000e+00> : vector<256xf32>
    %reduce_sum3A_62 = vector.multi_reduction <add>, %mul3A_61, %reduce_sum3A [0] : vector<2048x256xf32> to vector<256xf32>
    %broadcast_in_dim3A_63 = vector.shape_cast %reduce_sum3A_62 : vector<256xf32> to vector<1x256xf32>
    %mul3A_64 = arith.mulf %reshape3A_7, %select_n3A : vector<2048x256xf32>
    %reduce_sum3A_65 = arith.constant dense<0.000000e+00> : vector<256xf32>
    %reduce_sum3A_66 = vector.multi_reduction <add>, %mul3A_64, %reduce_sum3A_65 [0] : vector<2048x256xf32> to vector<256xf32>
    %broadcast_in_dim3A_67 = vector.shape_cast %reduce_sum3A_66 : vector<256xf32> to vector<1x256xf32>
    %mul3A_68 = arith.mulf %broadcast_in_dim3A_63, %broadcast_in_dim3A_67 : vector<1x256xf32>
    %iota3A_69 = tpu.iota {dimensions = array<i32: 1>} : vector<1024x256xi32>
    %iota3A_70 = tpu.iota {dimensions = array<i32: 1>} : vector<1x256xi32>
    %ge3A = arith.constant 0 : i32
    %ge3A_71 = vector.broadcast %ge3A : i32 to vector<1024x256xi32>
    %ge3A_72 = arith.cmpi sge, %iota3A_69, %ge3A_71 : vector<1024x256xi32>
    %lt3A = arith.constant 64 : i32
    %lt3A_73 = vector.broadcast %lt3A : i32 to vector<1024x256xi32>
    %lt3A_74 = arith.cmpi slt, %iota3A_69, %lt3A_73 : vector<1024x256xi32>
    %and3A_75 = arith.andi %ge3A_72, %lt3A_74 : vector<1024x256xi1>
    %jit3A_76 = arith.constant 0.000000e+00 : f32
    %broadcast_in_dim3A_77 = vector.broadcast %jit3A_76 : f32 to vector<1024x256xf32>
    %select_n3A_78 = arith.select %and3A_75, %add3A_51, %broadcast_in_dim3A_77 : vector<1024x256xi1>, vector<1024x256xf32>
    %reduce_sum3A_79 = arith.constant dense<0.000000e+00> : vector<1024xf32>
    %reduce_sum3A_80 = vector.multi_reduction <add>, %select_n3A_78, %reduce_sum3A_79 [1] : vector<1024x256xf32> to vector<1024xf32>
    %jit3A_81 = arith.constant 0.000000e+00 : f32
    %broadcast_in_dim3A_82 = vector.broadcast %jit3A_81 : f32 to vector<1024x256xf32>
    %select_n3A_83 = arith.select %and3A_75, %sub3A_54, %broadcast_in_dim3A_82 : vector<1024x256xi1>, vector<1024x256xf32>
    %reduce_sum3A_84 = arith.constant dense<0.000000e+00> : vector<1024xf32>
    %reduce_sum3A_85 = vector.multi_reduction <add>, %select_n3A_83, %reduce_sum3A_84 [1] : vector<1024x256xf32> to vector<1024xf32>
    %ge3A_86 = arith.constant 0 : i32
    %ge3A_87 = vector.broadcast %ge3A_86 : i32 to vector<1x256xi32>
    %ge3A_88 = arith.cmpi sge, %iota3A_70, %ge3A_87 : vector<1x256xi32>
    %lt3A_89 = arith.constant 64 : i32
    %lt3A_90 = vector.broadcast %lt3A_89 : i32 to vector<1x256xi32>
    %lt3A_91 = arith.cmpi slt, %iota3A_70, %lt3A_90 : vector<1x256xi32>
    %and3A_92 = arith.andi %ge3A_88, %lt3A_91 : vector<1x256xi1>
    %jit3A_93 = arith.constant 0.000000e+00 : f32
    %broadcast_in_dim3A_94 = vector.broadcast %jit3A_93 : f32 to vector<1x256xf32>
    %select_n3A_95 = arith.select %and3A_92, %mul3A_68, %broadcast_in_dim3A_94 : vector<1x256xi1>, vector<1x256xf32>
    %reduce_sum3A_96 = vector.shape_cast %select_n3A_95 : vector<1x256xf32> to vector<1x1x256xf32>
    %reduce_sum3A_97 = arith.constant dense<0.000000e+00> : vector<1xf32>
    %reduce_sum3A_98 = vector.multi_reduction <add>, %reduce_sum3A_96, %reduce_sum3A_97 [1, 2] : vector<1x1x256xf32> to vector<1xf32>
    %reduce_sum3A_99 = vector.shape_cast %reduce_sum3A_98 : vector<1xf32> to vector<1x1x1xf32>
    %reduce_sum3A_100 = vector.extract %reduce_sum3A_99[0, 0, 0] : f32 from vector<1x1x1xf32>
    %broadcast_in_dim3A_101 = vector.shape_cast %reduce_sum3A_80 : vector<1024xf32> to vector<1x1024xf32>
    %broadcast_in_dim3A_102 = vector.shape_cast %reduce_sum3A_85 : vector<1024xf32> to vector<1x1024xf32>
    %broadcast_in_dim3A_103 = vector.broadcast %reduce_sum3A_100 : f32 to vector<1x1024xf32>
    %broadcast_in_dim3A_104 = arith.constant 0.000000e+00 : f32
    %broadcast_in_dim3A_105 = vector.broadcast %broadcast_in_dim3A_104 : f32 to vector<5x1024xf32>
    %concatenate3A_106 = tpu.concatenate %broadcast_in_dim3A_101, %broadcast_in_dim3A_102, %broadcast_in_dim3A_103, %broadcast_in_dim3A_105 in 0 : vector<1x1024xf32>, vector<1x1024xf32>, vector<1x1024xf32>, vector<5x1024xf32> -> vector<8x1024xf32>
    %swap3A = arith.constant 0 : index
    %swap3A_107 = arith.constant 0 : index
    %swap3A_108 = arith.constant 0 : index
    %swap3A_109 = arith.constant 0 : index
    %swap3A_110 = vector.load %arg7[%swap3A, %swap3A_107, %swap3A_108, %swap3A_109] : memref<1x4x8x1024xf32, #tpu.memory_space<vmem>>, vector<1x1x8x1024xf32>
    %swap3A_111 = vector.shape_cast %swap3A_110 : vector<1x1x8x1024xf32> to vector<8x1024xf32>
    %swap3A_112 = vector.shape_cast %concatenate3A_106 : vector<8x1024xf32> to vector<1x1x8x1024xf32>
    tpu.vector_store %arg7[%swap3A, %swap3A_107, %swap3A_108, %swap3A_109], %swap3A_112 {strides = array<i32>} : memref<1x4x8x1024xf32, #tpu.memory_space<vmem>>, vector<1x1x8x1024xf32>,
    %ge3A_113 = arith.constant 64 : i32
    %ge3A_114 = vector.broadcast %ge3A_113 : i32 to vector<1024x256xi32>
    %ge3A_115 = arith.cmpi sge, %iota3A_69, %ge3A_114 : vector<1024x256xi32>
    %lt3A_116 = arith.constant 128 : i32
    %lt3A_117 = vector.broadcast %lt3A_116 : i32 to vector<1024x256xi32>
    %lt3A_118 = arith.cmpi slt, %iota3A_69, %lt3A_117 : vector<1024x256xi32>
    %and3A_119 = arith.andi %ge3A_115, %lt3A_118 : vector<1024x256xi1>
    %jit3A_120 = arith.constant 0.000000e+00 : f32
    %broadcast_in_dim3A_121 = vector.broadcast %jit3A_120 : f32 to vector<1024x256xf32>
    %select_n3A_122 = arith.select %and3A_119, %add3A_51, %broadcast_in_dim3A_121 : vector<1024x256xi1>, vector<1024x256xf32>
    %reduce_sum3A_123 = arith.constant dense<0.000000e+00> : vector<1024xf32>
    %reduce_sum3A_124 = vector.multi_reduction <add>, %select_n3A_122, %reduce_sum3A_123 [1] : vector<1024x256xf32> to vector<1024xf32>
    %jit3A_125 = arith.constant 0.000000e+00 : f32
    %broadcast_in_dim3A_126 = vector.broadcast %jit3A_125 : f32 to vector<1024x256xf32>
    %select_n3A_127 = arith.select %and3A_119, %sub3A_54, %broadcast_in_dim3A_126 : vector<1024x256xi1>, vector<1024x256xf32>
    %reduce_sum3A_128 = arith.constant dense<0.000000e+00> : vector<1024xf32>
    %reduce_sum3A_129 = vector.multi_reduction <add>, %select_n3A_127, %reduce_sum3A_128 [1] : vector<1024x256xf32> to vector<1024xf32>
    %ge3A_130 = arith.constant 64 : i32
    %ge3A_131 = vector.broadcast %ge3A_130 : i32 to vector<1x256xi32>
    %ge3A_132 = arith.cmpi sge, %iota3A_70, %ge3A_131 : vector<1x256xi32>
    %lt3A_133 = arith.constant 128 : i32
    %lt3A_134 = vector.broadcast %lt3A_133 : i32 to vector<1x256xi32>
    %lt3A_135 = arith.cmpi slt, %iota3A_70, %lt3A_134 : vector<1x256xi32>
    %and3A_136 = arith.andi %ge3A_132, %lt3A_135 : vector<1x256xi1>
    %jit3A_137 = arith.constant 0.000000e+00 : f32
    %broadcast_in_dim3A_138 = vector.broadcast %jit3A_137 : f32 to vector<1x256xf32>
    %select_n3A_139 = arith.select %and3A_136, %mul3A_68, %broadcast_in_dim3A_138 : vector<1x256xi1>, vector<1x256xf32>
    %reduce_sum3A_140 = vector.shape_cast %select_n3A_139 : vector<1x256xf32> to vector<1x1x256xf32>
    %reduce_sum3A_141 = arith.constant dense<0.000000e+00> : vector<1xf32>
    %reduce_sum3A_142 = vector.multi_reduction <add>, %reduce_sum3A_140, %reduce_sum3A_141 [1, 2] : vector<1x1x256xf32> to vector<1xf32>
    %reduce_sum3A_143 = vector.shape_cast %reduce_sum3A_142 : vector<1xf32> to vector<1x1x1xf32>
    %reduce_sum3A_144 = vector.extract %reduce_sum3A_143[0, 0, 0] : f32 from vector<1x1x1xf32>
    %broadcast_in_dim3A_145 = vector.shape_cast %reduce_sum3A_124 : vector<1024xf32> to vector<1x1024xf32>
    %broadcast_in_dim3A_146 = vector.shape_cast %reduce_sum3A_129 : vector<1024xf32> to vector<1x1024xf32>
    %broadcast_in_dim3A_147 = vector.broadcast %reduce_sum3A_144 : f32 to vector<1x1024xf32>
    %broadcast_in_dim3A_148 = arith.constant 0.000000e+00 : f32
    %broadcast_in_dim3A_149 = vector.broadcast %broadcast_in_dim3A_148 : f32 to vector<5x1024xf32>
    %concatenate3A_150 = tpu.concatenate %broadcast_in_dim3A_145, %broadcast_in_dim3A_146, %broadcast_in_dim3A_147, %broadcast_in_dim3A_149 in 0 : vector<1x1024xf32>, vector<1x1024xf32>, vector<1x1024xf32>, vector<5x1024xf32> -> vector<8x1024xf32>
    %swap3A_151 = arith.constant 0 : index
    %swap3A_152 = arith.constant 1 : index
    %swap3A_153 = arith.constant 0 : index
    %swap3A_154 = arith.constant 0 : index
    %swap3A_155 = vector.load %arg7[%swap3A_151, %swap3A_152, %swap3A_153, %swap3A_154] : memref<1x4x8x1024xf32, #tpu.memory_space<vmem>>, vector<1x1x8x1024xf32>
    %swap3A_156 = vector.shape_cast %swap3A_155 : vector<1x1x8x1024xf32> to vector<8x1024xf32>
    %swap3A_157 = vector.shape_cast %concatenate3A_150 : vector<8x1024xf32> to vector<1x1x8x1024xf32>
    tpu.vector_store %arg7[%swap3A_151, %swap3A_152, %swap3A_153, %swap3A_154], %swap3A_157 {strides = array<i32>} : memref<1x4x8x1024xf32, #tpu.memory_space<vmem>>, vector<1x1x8x1024xf32>,
    %ge3A_158 = arith.constant 128 : i32
    %ge3A_159 = vector.broadcast %ge3A_158 : i32 to vector<1024x256xi32>
    %ge3A_160 = arith.cmpi sge, %iota3A_69, %ge3A_159 : vector<1024x256xi32>
    %lt3A_161 = arith.constant 192 : i32
    %lt3A_162 = vector.broadcast %lt3A_161 : i32 to vector<1024x256xi32>
    %lt3A_163 = arith.cmpi slt, %iota3A_69, %lt3A_162 : vector<1024x256xi32>
    %and3A_164 = arith.andi %ge3A_160, %lt3A_163 : vector<1024x256xi1>
    %jit3A_165 = arith.constant 0.000000e+00 : f32
    %broadcast_in_dim3A_166 = vector.broadcast %jit3A_165 : f32 to vector<1024x256xf32>
    %select_n3A_167 = arith.select %and3A_164, %add3A_51, %broadcast_in_dim3A_166 : vector<1024x256xi1>, vector<1024x256xf32>
    %reduce_sum3A_168 = arith.constant dense<0.000000e+00> : vector<1024xf32>
    %reduce_sum3A_169 = vector.multi_reduction <add>, %select_n3A_167, %reduce_sum3A_168 [1] : vector<1024x256xf32> to vector<1024xf32>
    %jit3A_170 = arith.constant 0.000000e+00 : f32
    %broadcast_in_dim3A_171 = vector.broadcast %jit3A_170 : f32 to vector<1024x256xf32>
    %select_n3A_172 = arith.select %and3A_164, %sub3A_54, %broadcast_in_dim3A_171 : vector<1024x256xi1>, vector<1024x256xf32>
    %reduce_sum3A_173 = arith.constant dense<0.000000e+00> : vector<1024xf32>
    %reduce_sum3A_174 = vector.multi_reduction <add>, %select_n3A_172, %reduce_sum3A_173 [1] : vector<1024x256xf32> to vector<1024xf32>
    %ge3A_175 = arith.constant 128 : i32
    %ge3A_176 = vector.broadcast %ge3A_175 : i32 to vector<1x256xi32>
    %ge3A_177 = arith.cmpi sge, %iota3A_70, %ge3A_176 : vector<1x256xi32>
    %lt3A_178 = arith.constant 192 : i32
    %lt3A_179 = vector.broadcast %lt3A_178 : i32 to vector<1x256xi32>
    %lt3A_180 = arith.cmpi slt, %iota3A_70, %lt3A_179 : vector<1x256xi32>
    %and3A_181 = arith.andi %ge3A_177, %lt3A_180 : vector<1x256xi1>
    %jit3A_182 = arith.constant 0.000000e+00 : f32
    %broadcast_in_dim3A_183 = vector.broadcast %jit3A_182 : f32 to vector<1x256xf32>
    %select_n3A_184 = arith.select %and3A_181, %mul3A_68, %broadcast_in_dim3A_183 : vector<1x256xi1>, vector<1x256xf32>
    %reduce_sum3A_185 = vector.shape_cast %select_n3A_184 : vector<1x256xf32> to vector<1x1x256xf32>
    %reduce_sum3A_186 = arith.constant dense<0.000000e+00> : vector<1xf32>
    %reduce_sum3A_187 = vector.multi_reduction <add>, %reduce_sum3A_185, %reduce_sum3A_186 [1, 2] : vector<1x1x256xf32> to vector<1xf32>
    %reduce_sum3A_188 = vector.shape_cast %reduce_sum3A_187 : vector<1xf32> to vector<1x1x1xf32>
    %reduce_sum3A_189 = vector.extract %reduce_sum3A_188[0, 0, 0] : f32 from vector<1x1x1xf32>
    %broadcast_in_dim3A_190 = vector.shape_cast %reduce_sum3A_169 : vector<1024xf32> to vector<1x1024xf32>
    %broadcast_in_dim3A_191 = vector.shape_cast %reduce_sum3A_174 : vector<1024xf32> to vector<1x1024xf32>
    %broadcast_in_dim3A_192 = vector.broadcast %reduce_sum3A_189 : f32 to vector<1x1024xf32>
    %broadcast_in_dim3A_193 = arith.constant 0.000000e+00 : f32
    %broadcast_in_dim3A_194 = vector.broadcast %broadcast_in_dim3A_193 : f32 to vector<5x1024xf32>
    %concatenate3A_195 = tpu.concatenate %broadcast_in_dim3A_190, %broadcast_in_dim3A_191, %broadcast_in_dim3A_192, %broadcast_in_dim3A_194 in 0 : vector<1x1024xf32>, vector<1x1024xf32>, vector<1x1024xf32>, vector<5x1024xf32> -> vector<8x1024xf32>
    %swap3A_196 = arith.constant 0 : index
    %swap3A_197 = arith.constant 2 : index
    %swap3A_198 = arith.constant 0 : index
    %swap3A_199 = arith.constant 0 : index
    %swap3A_200 = vector.load %arg7[%swap3A_196, %swap3A_197, %swap3A_198, %swap3A_199] : memref<1x4x8x1024xf32, #tpu.memory_space<vmem>>, vector<1x1x8x1024xf32>
    %swap3A_201 = vector.shape_cast %swap3A_200 : vector<1x1x8x1024xf32> to vector<8x1024xf32>
    %swap3A_202 = vector.shape_cast %concatenate3A_195 : vector<8x1024xf32> to vector<1x1x8x1024xf32>
    tpu.vector_store %arg7[%swap3A_196, %swap3A_197, %swap3A_198, %swap3A_199], %swap3A_202 {strides = array<i32>} : memref<1x4x8x1024xf32, #tpu.memory_space<vmem>>, vector<1x1x8x1024xf32>,
    %ge3A_203 = arith.constant 192 : i32
    %ge3A_204 = vector.broadcast %ge3A_203 : i32 to vector<1024x256xi32>
    %ge3A_205 = arith.cmpi sge, %iota3A_69, %ge3A_204 : vector<1024x256xi32>
    %lt3A_206 = arith.constant 256 : i32
    %lt3A_207 = vector.broadcast %lt3A_206 : i32 to vector<1024x256xi32>
    %lt3A_208 = arith.cmpi slt, %iota3A_69, %lt3A_207 : vector<1024x256xi32>
    %and3A_209 = arith.andi %ge3A_205, %lt3A_208 : vector<1024x256xi1>
    %jit3A_210 = arith.constant 0.000000e+00 : f32
    %broadcast_in_dim3A_211 = vector.broadcast %jit3A_210 : f32 to vector<1024x256xf32>
    %select_n3A_212 = arith.select %and3A_209, %add3A_51, %broadcast_in_dim3A_211 : vector<1024x256xi1>, vector<1024x256xf32>
    %reduce_sum3A_213 = arith.constant dense<0.000000e+00> : vector<1024xf32>
    %reduce_sum3A_214 = vector.multi_reduction <add>, %select_n3A_212, %reduce_sum3A_213 [1] : vector<1024x256xf32> to vector<1024xf32>
    %jit3A_215 = arith.constant 0.000000e+00 : f32
    %broadcast_in_dim3A_216 = vector.broadcast %jit3A_215 : f32 to vector<1024x256xf32>
    %select_n3A_217 = arith.select %and3A_209, %sub3A_54, %broadcast_in_dim3A_216 : vector<1024x256xi1>, vector<1024x256xf32>
    %reduce_sum3A_218 = arith.constant dense<0.000000e+00> : vector<1024xf32>
    %reduce_sum3A_219 = vector.multi_reduction <add>, %select_n3A_217, %reduce_sum3A_218 [1] : vector<1024x256xf32> to vector<1024xf32>
    %ge3A_220 = arith.constant 192 : i32
    %ge3A_221 = vector.broadcast %ge3A_220 : i32 to vector<1x256xi32>
    %ge3A_222 = arith.cmpi sge, %iota3A_70, %ge3A_221 : vector<1x256xi32>
    %lt3A_223 = arith.constant 256 : i32
    %lt3A_224 = vector.broadcast %lt3A_223 : i32 to vector<1x256xi32>
    %lt3A_225 = arith.cmpi slt, %iota3A_70, %lt3A_224 : vector<1x256xi32>
    %and3A_226 = arith.andi %ge3A_222, %lt3A_225 : vector<1x256xi1>
    %jit3A_227 = arith.constant 0.000000e+00 : f32
    %broadcast_in_dim3A_228 = vector.broadcast %jit3A_227 : f32 to vector<1x256xf32>
    %select_n3A_229 = arith.select %and3A_226, %mul3A_68, %broadcast_in_dim3A_228 : vector<1x256xi1>, vector<1x256xf32>
    %reduce_sum3A_230 = vector.shape_cast %select_n3A_229 : vector<1x256xf32> to vector<1x1x256xf32>
    %reduce_sum3A_231 = arith.constant dense<0.000000e+00> : vector<1xf32>
    %reduce_sum3A_232 = vector.multi_reduction <add>, %reduce_sum3A_230, %reduce_sum3A_231 [1, 2] : vector<1x1x256xf32> to vector<1xf32>
    %reduce_sum3A_233 = vector.shape_cast %reduce_sum3A_232 : vector<1xf32> to vector<1x1x1xf32>
    %reduce_sum3A_234 = vector.extract %reduce_sum3A_233[0, 0, 0] : f32 from vector<1x1x1xf32>
    %broadcast_in_dim3A_235 = vector.shape_cast %reduce_sum3A_214 : vector<1024xf32> to vector<1x1024xf32>
    %broadcast_in_dim3A_236 = vector.shape_cast %reduce_sum3A_219 : vector<1024xf32> to vector<1x1024xf32>
    %broadcast_in_dim3A_237 = vector.broadcast %reduce_sum3A_234 : f32 to vector<1x1024xf32>
    %broadcast_in_dim3A_238 = arith.constant 0.000000e+00 : f32
    %broadcast_in_dim3A_239 = vector.broadcast %broadcast_in_dim3A_238 : f32 to vector<5x1024xf32>
    %concatenate3A_240 = tpu.concatenate %broadcast_in_dim3A_235, %broadcast_in_dim3A_236, %broadcast_in_dim3A_237, %broadcast_in_dim3A_239 in 0 : vector<1x1024xf32>, vector<1x1024xf32>, vector<1x1024xf32>, vector<5x1024xf32> -> vector<8x1024xf32>
    %swap3A_241 = arith.constant 0 : index
    %swap3A_242 = arith.constant 3 : index
    %swap3A_243 = arith.constant 0 : index
    %swap3A_244 = arith.constant 0 : index
    %swap3A_245 = vector.load %arg7[%swap3A_241, %swap3A_242, %swap3A_243, %swap3A_244] : memref<1x4x8x1024xf32, #tpu.memory_space<vmem>>, vector<1x1x8x1024xf32>
    %swap3A_246 = vector.shape_cast %swap3A_245 : vector<1x1x8x1024xf32> to vector<8x1024xf32>
    %swap3A_247 = vector.shape_cast %concatenate3A_240 : vector<8x1024xf32> to vector<1x1x8x1024xf32>
    tpu.vector_store %arg7[%swap3A_241, %swap3A_242, %swap3A_243, %swap3A_244], %swap3A_247 {strides = array<i32>} : memref<1x4x8x1024xf32, #tpu.memory_space<vmem>>, vector<1x1x8x1024xf32>,
    return
  }
  func.func @transform_0(%arg0: i32) -> (i32, i32, i32) {
    %c0_i32 = arith.constant 0 : i32
    %c0_i32_0 = arith.constant 0 : i32
    %c0_i32_1 = arith.constant 0 : i32
    return %c0_i32, %c0_i32_0, %arg0 : i32, i32, i32
  }
  func.func @transform_1(%arg0: i32) -> (i32, i32, i32) {
    %c0_i32 = arith.constant 0 : i32
    %c0_i32_0 = arith.constant 0 : i32
    %c0_i32_1 = arith.constant 0 : i32
    return %c0_i32, %c0_i32_0, %arg0 : i32, i32, i32
  }
  func.func @transform_2(%arg0: i32) -> (i32, i32) {
    %c0_i32 = arith.constant 0 : i32
    %c0_i32_0 = arith.constant 0 : i32
    %c0_i32_1 = arith.constant 0 : i32
    return %c0_i32, %c0_i32_0 : i32, i32
  }
  func.func @transform_3(%arg0: i32) -> (i32, i32) {
    %c0_i32 = arith.constant 0 : i32
    %c0_i32_0 = arith.constant 0 : i32
    %c0_i32_1 = arith.constant 0 : i32
    return %c0_i32, %c0_i32_0 : i32, i32
  }
  func.func @transform_4(%arg0: i32) -> (i32, i32) {
    %c0_i32 = arith.constant 0 : i32
    %c0_i32_0 = arith.constant 0 : i32
    %c0_i32_1 = arith.constant 0 : i32
    return %c0_i32, %c0_i32_0 : i32, i32
  }
  func.func @transform_5(%arg0: i32) -> (i32, i32) {
    %c0_i32 = arith.constant 0 : i32
    %c0_i32_0 = arith.constant 0 : i32
    %c0_i32_1 = arith.constant 0 : i32
    return %c0_i32, %c0_i32_0 : i32, i32
  }
  func.func @transform_6(%arg0: i32) -> (i32, i32, i32, i32) {
    %c0_i32 = arith.constant 0 : i32
    %c0_i32_0 = arith.constant 0 : i32
    %c0_i32_1 = arith.constant 0 : i32
    %c0_i32_2 = arith.constant 0 : i32
    return %arg0, %c0_i32, %c0_i32_0, %c0_i32_1 : i32, i32, i32, i32
  }
}

module attributes {stable_mosaic.version = 14 : i64} {
  func.func @_invdft_body(%arg0: memref<32x8x1024xf32, #tpu.memory_space<vmem>>, %arg1: memref<1024x2048xbf16, #tpu.memory_space<vmem>>, %arg2: memref<1024x2048xbf16, #tpu.memory_space<vmem>>, %arg3: memref<1024x2048xbf16, #tpu.memory_space<vmem>>, %arg4: memref<1024x2048xbf16, #tpu.memory_space<vmem>>, %arg5: memref<32x2048xf32, #tpu.memory_space<vmem>>) attributes {dimension_semantics = [], scalar_prefetch = 0 : i64, scratch_operands = 0 : i64, tpu.core_type = #tpu.core_type<tc>} {
    %get3A = arith.constant 0 : index
    %get3A_0 = arith.constant 0 : index
    %get3A_1 = arith.constant 0 : index
    %get3A_2 = vector.load %arg0[%get3A, %get3A_0, %get3A_1] : memref<32x8x1024xf32, #tpu.memory_space<vmem>>, vector<32x1x1024xf32>
    %get3A_3 = vector.shape_cast %get3A_2 : vector<32x1x1024xf32> to vector<32x1024xf32>
    %get3A_4 = arith.constant 0 : index
    %get3A_5 = arith.constant 1 : index
    %get3A_6 = arith.constant 0 : index
    %get3A_7 = vector.load %arg0[%get3A_4, %get3A_5, %get3A_6] : memref<32x8x1024xf32, #tpu.memory_space<vmem>>, vector<32x1x1024xf32>
    %get3A_8 = vector.shape_cast %get3A_7 : vector<32x1x1024xf32> to vector<32x1024xf32>
    %get3A_9 = arith.constant 0 : index
    %get3A_10 = arith.constant 2 : index
    %get3A_11 = arith.constant 0 : index
    %get3A_12 = vector.load %arg0[%get3A_9, %get3A_10, %get3A_11] : memref<32x8x1024xf32, #tpu.memory_space<vmem>>, vector<32x1x1xf32>
    %get3A_13 = vector.shape_cast %get3A_12 : vector<32x1x1xf32> to vector<32x1xf32>
    %iota3A = tpu.iota {dimensions = array<i32: 1>} : vector<32x2048xi32>
    %and3A = arith.constant 1 : i32
    %and3A_14 = vector.broadcast %and3A : i32 to vector<32x2048xi32>
    %and3A_15 = arith.andi %iota3A, %and3A_14 : vector<32x2048xi32>
    %eq3A = arith.constant 0 : i32
    %eq3A_16 = vector.broadcast %eq3A : i32 to vector<32x2048xi32>
    %eq3A_17 = arith.cmpi eq, %and3A_15, %eq3A_16 : vector<32x2048xi32>
    %jit3A = arith.constant 1.000000e+00 : f32
    %jit3A_18 = arith.constant -1.000000e+00 : f32
    %broadcast_in_dim3A = vector.broadcast %jit3A : f32 to vector<32x2048xf32>
    %broadcast_in_dim3A_19 = vector.broadcast %jit3A_18 : f32 to vector<32x2048xf32>
    %select_n3A = arith.select %eq3A_17, %broadcast_in_dim3A, %broadcast_in_dim3A_19 : vector<32x2048xi1>, vector<32x2048xf32>
    %convert_element_type3A = arith.truncf %get3A_3 : vector<32x1024xf32> to vector<32x1024xbf16>
    %convert_element_type3A_20 = arith.extf %convert_element_type3A : vector<32x1024xbf16> to vector<32x1024xf32>
    %sub3A = arith.subf %get3A_3, %convert_element_type3A_20 : vector<32x1024xf32>
    %convert_element_type3A_21 = arith.truncf %sub3A : vector<32x1024xf32> to vector<32x1024xbf16>
    %convert_element_type3A_22 = arith.truncf %get3A_8 : vector<32x1024xf32> to vector<32x1024xbf16>
    %convert_element_type3A_23 = arith.extf %convert_element_type3A_22 : vector<32x1024xbf16> to vector<32x1024xf32>
    %sub3A_24 = arith.subf %get3A_8, %convert_element_type3A_23 : vector<32x1024xf32>
    %convert_element_type3A_25 = arith.truncf %sub3A_24 : vector<32x1024xf32> to vector<32x1024xbf16>
    %get3A_26 = arith.constant 0 : index
    %get3A_27 = arith.constant 0 : index
    %get3A_28 = vector.load %arg1[%get3A_26, %get3A_27] : memref<1024x2048xbf16, #tpu.memory_space<vmem>>, vector<1024x2048xbf16>
    %get3A_29 = arith.constant 0 : index
    %get3A_30 = arith.constant 0 : index
    %get3A_31 = vector.load %arg2[%get3A_29, %get3A_30] : memref<1024x2048xbf16, #tpu.memory_space<vmem>>, vector<1024x2048xbf16>
    %dot_general3A = arith.constant dense<0.000000e+00> : vector<32x2048xf32>
    %dot_general3A_32 = tpu.matmul %convert_element_type3A, %get3A_28, %dot_general3A {dimension_numbers = #tpu.dot_dimension_numbers<[1], [0], [0], [1], [0, 0, 1, 1], [], []>, transpose_lhs_hint = false} : vector<32x1024xbf16>, vector<1024x2048xbf16>, vector<32x2048xf32> -> vector<32x2048xf32>
    %dot_general3A_33 = arith.constant dense<0.000000e+00> : vector<32x2048xf32>
    %dot_general3A_34 = tpu.matmul %convert_element_type3A, %get3A_31, %dot_general3A_33 {dimension_numbers = #tpu.dot_dimension_numbers<[1], [0], [0], [1], [0, 0, 1, 1], [], []>, transpose_lhs_hint = false} : vector<32x1024xbf16>, vector<1024x2048xbf16>, vector<32x2048xf32> -> vector<32x2048xf32>
    %add3A = arith.addf %dot_general3A_32, %dot_general3A_34 : vector<32x2048xf32>
    %dot_general3A_35 = arith.constant dense<0.000000e+00> : vector<32x2048xf32>
    %dot_general3A_36 = tpu.matmul %convert_element_type3A_21, %get3A_28, %dot_general3A_35 {dimension_numbers = #tpu.dot_dimension_numbers<[1], [0], [0], [1], [0, 0, 1, 1], [], []>, transpose_lhs_hint = false} : vector<32x1024xbf16>, vector<1024x2048xbf16>, vector<32x2048xf32> -> vector<32x2048xf32>
    %add3A_37 = arith.addf %add3A, %dot_general3A_36 : vector<32x2048xf32>
    %dot_general3A_38 = arith.constant dense<0.000000e+00> : vector<32x2048xf32>
    %dot_general3A_39 = tpu.matmul %convert_element_type3A_21, %get3A_31, %dot_general3A_38 {dimension_numbers = #tpu.dot_dimension_numbers<[1], [0], [0], [1], [0, 0, 1, 1], [], []>, transpose_lhs_hint = false} : vector<32x1024xbf16>, vector<1024x2048xbf16>, vector<32x2048xf32> -> vector<32x2048xf32>
    %add3A_40 = arith.addf %add3A_37, %dot_general3A_39 : vector<32x2048xf32>
    %get3A_41 = arith.constant 0 : index
    %get3A_42 = arith.constant 0 : index
    %get3A_43 = vector.load %arg3[%get3A_41, %get3A_42] : memref<1024x2048xbf16, #tpu.memory_space<vmem>>, vector<1024x2048xbf16>
    %get3A_44 = arith.constant 0 : index
    %get3A_45 = arith.constant 0 : index
    %get3A_46 = vector.load %arg4[%get3A_44, %get3A_45] : memref<1024x2048xbf16, #tpu.memory_space<vmem>>, vector<1024x2048xbf16>
    %dot_general3A_47 = arith.constant dense<0.000000e+00> : vector<32x2048xf32>
    %dot_general3A_48 = tpu.matmul %convert_element_type3A_22, %get3A_43, %dot_general3A_47 {dimension_numbers = #tpu.dot_dimension_numbers<[1], [0], [0], [1], [0, 0, 1, 1], [], []>, transpose_lhs_hint = false} : vector<32x1024xbf16>, vector<1024x2048xbf16>, vector<32x2048xf32> -> vector<32x2048xf32>
    %dot_general3A_49 = arith.constant dense<0.000000e+00> : vector<32x2048xf32>
    %dot_general3A_50 = tpu.matmul %convert_element_type3A_22, %get3A_46, %dot_general3A_49 {dimension_numbers = #tpu.dot_dimension_numbers<[1], [0], [0], [1], [0, 0, 1, 1], [], []>, transpose_lhs_hint = false} : vector<32x1024xbf16>, vector<1024x2048xbf16>, vector<32x2048xf32> -> vector<32x2048xf32>
    %add3A_51 = arith.addf %dot_general3A_48, %dot_general3A_50 : vector<32x2048xf32>
    %dot_general3A_52 = arith.constant dense<0.000000e+00> : vector<32x2048xf32>
    %dot_general3A_53 = tpu.matmul %convert_element_type3A_25, %get3A_43, %dot_general3A_52 {dimension_numbers = #tpu.dot_dimension_numbers<[1], [0], [0], [1], [0, 0, 1, 1], [], []>, transpose_lhs_hint = false} : vector<32x1024xbf16>, vector<1024x2048xbf16>, vector<32x2048xf32> -> vector<32x2048xf32>
    %add3A_54 = arith.addf %add3A_51, %dot_general3A_53 : vector<32x2048xf32>
    %dot_general3A_55 = arith.constant dense<0.000000e+00> : vector<32x2048xf32>
    %dot_general3A_56 = tpu.matmul %convert_element_type3A_25, %get3A_46, %dot_general3A_55 {dimension_numbers = #tpu.dot_dimension_numbers<[1], [0], [0], [1], [0, 0, 1, 1], [], []>, transpose_lhs_hint = false} : vector<32x1024xbf16>, vector<1024x2048xbf16>, vector<32x2048xf32> -> vector<32x2048xf32>
    %add3A_57 = arith.addf %add3A_54, %dot_general3A_56 : vector<32x2048xf32>
    %add3A_58 = arith.addf %add3A_40, %add3A_57 : vector<32x2048xf32>
    %mul3A = vector.broadcast %get3A_13 : vector<32x1xf32> to vector<32x2048xf32>
    %mul3A_59 = arith.mulf %mul3A, %select_n3A : vector<32x2048xf32>
    %add3A_60 = arith.addf %add3A_58, %mul3A_59 : vector<32x2048xf32>
    %mul3A_61 = arith.constant 7.62939453E-6 : f32
    %mul3A_62 = vector.broadcast %mul3A_61 : f32 to vector<32x2048xf32>
    %mul3A_63 = arith.mulf %add3A_60, %mul3A_62 : vector<32x2048xf32>
    %swap3A = arith.constant 0 : index
    %swap3A_64 = arith.constant 0 : index
    %swap3A_65 = vector.load %arg5[%swap3A, %swap3A_64] : memref<32x2048xf32, #tpu.memory_space<vmem>>, vector<32x2048xf32>
    tpu.vector_store %arg5[%swap3A, %swap3A_64], %mul3A_63 {strides = array<i32>} : memref<32x2048xf32, #tpu.memory_space<vmem>>, vector<32x2048xf32>,
    return
  }
}

module attributes {stable_mosaic.version = 14 : i64} {
  func.func @_agg_body(%arg0: i32, %arg1: i32, %arg2: memref<32x16xi32, #tpu.memory_space<smem>>, %arg3: memref<32x16xf32, #tpu.memory_space<smem>>, %arg4: memref<2048x2x128xf32, #tpu.memory_space<vmem>>, %arg5: memref<1x128x1024xf32, #tpu.memory_space<vmem>>, %arg6: memref<1x1024xf32, #tpu.memory_space<vmem>>, %arg7: memref<1x2048x1024xf32, #tpu.memory_space<vmem>>, %arg8: memref<4096x64xf32, #tpu.memory_space<vmem>>) attributes {dimension_semantics = [#tpu.dimension_semantics<arbitrary>, #tpu.dimension_semantics<arbitrary>], iteration_bounds = array<i64: 2, 8>, scalar_prefetch = 0 : i64, scratch_operands = 1 : i64, tpu.core_type = #tpu.core_type<tc>, window_params = [{transform_indices = @transform_0, window_bounds = array<i64: 32, 16>}, {transform_indices = @transform_1, window_bounds = array<i64: 32, 16>}, {transform_indices = @transform_2, window_bounds = array<i64: 2048, 2, 128>}, {transform_indices = @transform_3, window_bounds = array<i64: 1, 128, 1024>}, {pipeline_mode = #tpu.pipeline_mode<synchronous>, transform_indices = @transform_4, window_bounds = array<i64: 1, 1024>}, {transform_indices = @transform_5, window_bounds = array<i64: 1, 2048, 1024>}]} {
    %get3A = arith.constant 0 : index
    %get3A_0 = arith.index_cast %arg0 : i32 to index
    %get3A_1 = arith.constant 0 : index
    %get3A_2 = vector.load %arg4[%get3A, %get3A_0, %get3A_1] : memref<2048x2x128xf32, #tpu.memory_space<vmem>>, vector<2048x1x128xf32>
    %get3A_3 = vector.shape_cast %get3A_2 : vector<2048x1x128xf32> to vector<2048x128xf32>
    %mul3A = arith.constant 4 : i32
    %mul3A_4 = arith.muli %arg1, %mul3A : i32
    %mul3A_5 = arith.constant 2 : i32
    %mul3A_6 = arith.muli %arg0, %mul3A_5 : i32
    %add3A = arith.addi %mul3A_4, %mul3A_6 : i32
    %add3A_7 = arith.constant 0 : i32
    %add3A_8 = arith.addi %add3A, %add3A_7 : i32
    %slice3A = vector.extract_strided_slice %get3A_3 {offsets = [0, 0], sizes = [2048, 64], strides = [1, 1]} : vector<2048x128xf32> to vector<2048x64xf32>
    %swap3A = arith.constant 0 : index
    %swap3A_9 = arith.constant 0 : index
    %swap3A_10 = vector.load %arg8[%swap3A, %swap3A_9] : memref<4096x64xf32, #tpu.memory_space<vmem>>, vector<2048x64xf32>
    tpu.vector_store %arg8[%swap3A, %swap3A_9], %slice3A {strides = array<i32>} : memref<4096x64xf32, #tpu.memory_space<vmem>>, vector<2048x64xf32>,
    %swap3A_11 = arith.constant 2048 : index
    %swap3A_12 = arith.constant 0 : index
    %swap3A_13 = vector.load %arg8[%swap3A_11, %swap3A_12] : memref<4096x64xf32, #tpu.memory_space<vmem>>, vector<2048x64xf32>
    tpu.vector_store %arg8[%swap3A_11, %swap3A_12], %slice3A {strides = array<i32>} : memref<4096x64xf32, #tpu.memory_space<vmem>>, vector<2048x64xf32>,
    %get3A_14 = arith.index_cast %add3A_8 : i32 to index
    %get3A_15 = arith.constant 7 : index
    %get3A_16 = memref.load %arg3[%get3A_14, %get3A_15] : memref<32x16xf32, #tpu.memory_space<smem>>
    %mul3A_17 = arith.constant 7.000000e+00 : f32
    %mul3A_18 = arith.mulf %mul3A_17, %get3A_16 : f32
    %div3A = arith.constant 1.000000e+00 : f32
    %div3A_19 = arith.divf %div3A, %mul3A_18 : f32
    %broadcast_in_dim3A = arith.constant 0.000000e+00 : f32
    %broadcast_in_dim3A_20 = vector.broadcast %broadcast_in_dim3A : f32 to vector<2048x64xf32>
    %get3A_21 = arith.index_cast %add3A_8 : i32 to index
    %get3A_22 = arith.constant 0 : index
    %get3A_23 = memref.load %arg2[%get3A_21, %get3A_22] : memref<32x16xi32, #tpu.memory_space<smem>>
    %get3A_24 = arith.index_cast %add3A_8 : i32 to index
    %get3A_25 = arith.constant 0 : index
    %get3A_26 = memref.load %arg3[%get3A_24, %get3A_25] : memref<32x16xf32, #tpu.memory_space<smem>>
    %mul3A_27 = arith.mulf %get3A_26, %div3A_19 : f32
    %get3A_28 = arith.index_cast %get3A_23 : i32 to index
    %get3A_29 = arith.constant 0 : index
    %get3A_30 = vector.load %arg8[%get3A_28, %get3A_29] : memref<4096x64xf32, #tpu.memory_space<vmem>>, vector<2048x64xf32>
    %mul3A_31 = vector.broadcast %mul3A_27 : f32 to vector<2048x64xf32>
    %mul3A_32 = arith.mulf %mul3A_31, %get3A_30 : vector<2048x64xf32>
    %add3A_33 = arith.addf %broadcast_in_dim3A_20, %mul3A_32 : vector<2048x64xf32>
    %get3A_34 = arith.index_cast %add3A_8 : i32 to index
    %get3A_35 = arith.constant 1 : index
    %get3A_36 = memref.load %arg2[%get3A_34, %get3A_35] : memref<32x16xi32, #tpu.memory_space<smem>>
    %get3A_37 = arith.index_cast %add3A_8 : i32 to index
    %get3A_38 = arith.constant 1 : index
    %get3A_39 = memref.load %arg3[%get3A_37, %get3A_38] : memref<32x16xf32, #tpu.memory_space<smem>>
    %mul3A_40 = arith.mulf %get3A_39, %div3A_19 : f32
    %get3A_41 = arith.index_cast %get3A_36 : i32 to index
    %get3A_42 = arith.constant 0 : index
    %get3A_43 = vector.load %arg8[%get3A_41, %get3A_42] : memref<4096x64xf32, #tpu.memory_space<vmem>>, vector<2048x64xf32>
    %mul3A_44 = vector.broadcast %mul3A_40 : f32 to vector<2048x64xf32>
    %mul3A_45 = arith.mulf %mul3A_44, %get3A_43 : vector<2048x64xf32>
    %add3A_46 = arith.addf %add3A_33, %mul3A_45 : vector<2048x64xf32>
    %get3A_47 = arith.index_cast %add3A_8 : i32 to index
    %get3A_48 = arith.constant 2 : index
    %get3A_49 = memref.load %arg2[%get3A_47, %get3A_48] : memref<32x16xi32, #tpu.memory_space<smem>>
    %get3A_50 = arith.index_cast %add3A_8 : i32 to index
    %get3A_51 = arith.constant 2 : index
    %get3A_52 = memref.load %arg3[%get3A_50, %get3A_51] : memref<32x16xf32, #tpu.memory_space<smem>>
    %mul3A_53 = arith.mulf %get3A_52, %div3A_19 : f32
    %get3A_54 = arith.index_cast %get3A_49 : i32 to index
    %get3A_55 = arith.constant 0 : index
    %get3A_56 = vector.load %arg8[%get3A_54, %get3A_55] : memref<4096x64xf32, #tpu.memory_space<vmem>>, vector<2048x64xf32>
    %mul3A_57 = vector.broadcast %mul3A_53 : f32 to vector<2048x64xf32>
    %mul3A_58 = arith.mulf %mul3A_57, %get3A_56 : vector<2048x64xf32>
    %add3A_59 = arith.addf %add3A_46, %mul3A_58 : vector<2048x64xf32>
    %get3A_60 = arith.index_cast %add3A_8 : i32 to index
    %get3A_61 = arith.constant 3 : index
    %get3A_62 = memref.load %arg2[%get3A_60, %get3A_61] : memref<32x16xi32, #tpu.memory_space<smem>>
    %get3A_63 = arith.index_cast %add3A_8 : i32 to index
    %get3A_64 = arith.constant 3 : index
    %get3A_65 = memref.load %arg3[%get3A_63, %get3A_64] : memref<32x16xf32, #tpu.memory_space<smem>>
    %mul3A_66 = arith.mulf %get3A_65, %div3A_19 : f32
    %get3A_67 = arith.index_cast %get3A_62 : i32 to index
    %get3A_68 = arith.constant 0 : index
    %get3A_69 = vector.load %arg8[%get3A_67, %get3A_68] : memref<4096x64xf32, #tpu.memory_space<vmem>>, vector<2048x64xf32>
    %mul3A_70 = vector.broadcast %mul3A_66 : f32 to vector<2048x64xf32>
    %mul3A_71 = arith.mulf %mul3A_70, %get3A_69 : vector<2048x64xf32>
    %add3A_72 = arith.addf %add3A_59, %mul3A_71 : vector<2048x64xf32>
    %get3A_73 = arith.index_cast %add3A_8 : i32 to index
    %get3A_74 = arith.constant 4 : index
    %get3A_75 = memref.load %arg2[%get3A_73, %get3A_74] : memref<32x16xi32, #tpu.memory_space<smem>>
    %get3A_76 = arith.index_cast %add3A_8 : i32 to index
    %get3A_77 = arith.constant 4 : index
    %get3A_78 = memref.load %arg3[%get3A_76, %get3A_77] : memref<32x16xf32, #tpu.memory_space<smem>>
    %mul3A_79 = arith.mulf %get3A_78, %div3A_19 : f32
    %get3A_80 = arith.index_cast %get3A_75 : i32 to index
    %get3A_81 = arith.constant 0 : index
    %get3A_82 = vector.load %arg8[%get3A_80, %get3A_81] : memref<4096x64xf32, #tpu.memory_space<vmem>>, vector<2048x64xf32>
    %mul3A_83 = vector.broadcast %mul3A_79 : f32 to vector<2048x64xf32>
    %mul3A_84 = arith.mulf %mul3A_83, %get3A_82 : vector<2048x64xf32>
    %add3A_85 = arith.addf %add3A_72, %mul3A_84 : vector<2048x64xf32>
    %get3A_86 = arith.index_cast %add3A_8 : i32 to index
    %get3A_87 = arith.constant 5 : index
    %get3A_88 = memref.load %arg2[%get3A_86, %get3A_87] : memref<32x16xi32, #tpu.memory_space<smem>>
    %get3A_89 = arith.index_cast %add3A_8 : i32 to index
    %get3A_90 = arith.constant 5 : index
    %get3A_91 = memref.load %arg3[%get3A_89, %get3A_90] : memref<32x16xf32, #tpu.memory_space<smem>>
    %mul3A_92 = arith.mulf %get3A_91, %div3A_19 : f32
    %get3A_93 = arith.index_cast %get3A_88 : i32 to index
    %get3A_94 = arith.constant 0 : index
    %get3A_95 = vector.load %arg8[%get3A_93, %get3A_94] : memref<4096x64xf32, #tpu.memory_space<vmem>>, vector<2048x64xf32>
    %mul3A_96 = vector.broadcast %mul3A_92 : f32 to vector<2048x64xf32>
    %mul3A_97 = arith.mulf %mul3A_96, %get3A_95 : vector<2048x64xf32>
    %add3A_98 = arith.addf %add3A_85, %mul3A_97 : vector<2048x64xf32>
    %get3A_99 = arith.index_cast %add3A_8 : i32 to index
    %get3A_100 = arith.constant 6 : index
    %get3A_101 = memref.load %arg2[%get3A_99, %get3A_100] : memref<32x16xi32, #tpu.memory_space<smem>>
    %get3A_102 = arith.index_cast %add3A_8 : i32 to index
    %get3A_103 = arith.constant 6 : index
    %get3A_104 = memref.load %arg3[%get3A_102, %get3A_103] : memref<32x16xf32, #tpu.memory_space<smem>>
    %mul3A_105 = arith.mulf %get3A_104, %div3A_19 : f32
    %get3A_106 = arith.index_cast %get3A_101 : i32 to index
    %get3A_107 = arith.constant 0 : index
    %get3A_108 = vector.load %arg8[%get3A_106, %get3A_107] : memref<4096x64xf32, #tpu.memory_space<vmem>>, vector<2048x64xf32>
    %mul3A_109 = vector.broadcast %mul3A_105 : f32 to vector<2048x64xf32>
    %mul3A_110 = arith.mulf %mul3A_109, %get3A_108 : vector<2048x64xf32>
    %add3A_111 = arith.addf %add3A_98, %mul3A_110 : vector<2048x64xf32>
    %get3A_112 = arith.constant 0 : index
    %get3A_113 = arith.constant 0 : index
    %get3A_114 = arith.constant 0 : index
    %get3A_115 = vector.load %arg5[%get3A_112, %get3A_113, %get3A_114] : memref<1x128x1024xf32, #tpu.memory_space<vmem>>, vector<1x64x1024xf32>
    %get3A_116 = vector.shape_cast %get3A_115 : vector<1x64x1024xf32> to vector<64x1024xf32>
    %convert_element_type3A = arith.truncf %add3A_111 : vector<2048x64xf32> to vector<2048x64xbf16>
    %convert_element_type3A_117 = arith.truncf %get3A_116 : vector<64x1024xf32> to vector<64x1024xbf16>
    %dot_general3A = arith.constant dense<0.000000e+00> : vector<2048x1024xf32>
    %dot_general3A_118 = tpu.matmul %convert_element_type3A, %convert_element_type3A_117, %dot_general3A {dimension_numbers = #tpu.dot_dimension_numbers<[1], [0], [0], [1], [0, 0, 1, 1], [], []>, transpose_lhs_hint = false} : vector<2048x64xbf16>, vector<64x1024xbf16>, vector<2048x1024xf32> -> vector<2048x1024xf32>
    %mul3A_119 = arith.constant 4 : i32
    %mul3A_120 = arith.muli %arg1, %mul3A_119 : i32
    %mul3A_121 = arith.constant 2 : i32
    %mul3A_122 = arith.muli %arg0, %mul3A_121 : i32
    %add3A_123 = arith.addi %mul3A_120, %mul3A_122 : i32
    %add3A_124 = arith.constant 1 : i32
    %add3A_125 = arith.addi %add3A_123, %add3A_124 : i32
    %slice3A_126 = vector.extract_strided_slice %get3A_3 {offsets = [0, 64], sizes = [2048, 64], strides = [1, 1]} : vector<2048x128xf32> to vector<2048x64xf32>
    %swap3A_127 = arith.constant 0 : index
    %swap3A_128 = arith.constant 0 : index
    %swap3A_129 = vector.load %arg8[%swap3A_127, %swap3A_128] : memref<4096x64xf32, #tpu.memory_space<vmem>>, vector<2048x64xf32>
    tpu.vector_store %arg8[%swap3A_127, %swap3A_128], %slice3A_126 {strides = array<i32>} : memref<4096x64xf32, #tpu.memory_space<vmem>>, vector<2048x64xf32>,
    %swap3A_130 = arith.constant 2048 : index
    %swap3A_131 = arith.constant 0 : index
    %swap3A_132 = vector.load %arg8[%swap3A_130, %swap3A_131] : memref<4096x64xf32, #tpu.memory_space<vmem>>, vector<2048x64xf32>
    tpu.vector_store %arg8[%swap3A_130, %swap3A_131], %slice3A_126 {strides = array<i32>} : memref<4096x64xf32, #tpu.memory_space<vmem>>, vector<2048x64xf32>,
    %get3A_133 = arith.index_cast %add3A_125 : i32 to index
    %get3A_134 = arith.constant 7 : index
    %get3A_135 = memref.load %arg3[%get3A_133, %get3A_134] : memref<32x16xf32, #tpu.memory_space<smem>>
    %mul3A_136 = arith.constant 7.000000e+00 : f32
    %mul3A_137 = arith.mulf %mul3A_136, %get3A_135 : f32
    %div3A_138 = arith.constant 1.000000e+00 : f32
    %div3A_139 = arith.divf %div3A_138, %mul3A_137 : f32
    %broadcast_in_dim3A_140 = arith.constant 0.000000e+00 : f32
    %broadcast_in_dim3A_141 = vector.broadcast %broadcast_in_dim3A_140 : f32 to vector<2048x64xf32>
    %get3A_142 = arith.index_cast %add3A_125 : i32 to index
    %get3A_143 = arith.constant 0 : index
    %get3A_144 = memref.load %arg2[%get3A_142, %get3A_143] : memref<32x16xi32, #tpu.memory_space<smem>>
    %get3A_145 = arith.index_cast %add3A_125 : i32 to index
    %get3A_146 = arith.constant 0 : index
    %get3A_147 = memref.load %arg3[%get3A_145, %get3A_146] : memref<32x16xf32, #tpu.memory_space<smem>>
    %mul3A_148 = arith.mulf %get3A_147, %div3A_139 : f32
    %get3A_149 = arith.index_cast %get3A_144 : i32 to index
    %get3A_150 = arith.constant 0 : index
    %get3A_151 = vector.load %arg8[%get3A_149, %get3A_150] : memref<4096x64xf32, #tpu.memory_space<vmem>>, vector<2048x64xf32>
    %mul3A_152 = vector.broadcast %mul3A_148 : f32 to vector<2048x64xf32>
    %mul3A_153 = arith.mulf %mul3A_152, %get3A_151 : vector<2048x64xf32>
    %add3A_154 = arith.addf %broadcast_in_dim3A_141, %mul3A_153 : vector<2048x64xf32>
    %get3A_155 = arith.index_cast %add3A_125 : i32 to index
    %get3A_156 = arith.constant 1 : index
    %get3A_157 = memref.load %arg2[%get3A_155, %get3A_156] : memref<32x16xi32, #tpu.memory_space<smem>>
    %get3A_158 = arith.index_cast %add3A_125 : i32 to index
    %get3A_159 = arith.constant 1 : index
    %get3A_160 = memref.load %arg3[%get3A_158, %get3A_159] : memref<32x16xf32, #tpu.memory_space<smem>>
    %mul3A_161 = arith.mulf %get3A_160, %div3A_139 : f32
    %get3A_162 = arith.index_cast %get3A_157 : i32 to index
    %get3A_163 = arith.constant 0 : index
    %get3A_164 = vector.load %arg8[%get3A_162, %get3A_163] : memref<4096x64xf32, #tpu.memory_space<vmem>>, vector<2048x64xf32>
    %mul3A_165 = vector.broadcast %mul3A_161 : f32 to vector<2048x64xf32>
    %mul3A_166 = arith.mulf %mul3A_165, %get3A_164 : vector<2048x64xf32>
    %add3A_167 = arith.addf %add3A_154, %mul3A_166 : vector<2048x64xf32>
    %get3A_168 = arith.index_cast %add3A_125 : i32 to index
    %get3A_169 = arith.constant 2 : index
    %get3A_170 = memref.load %arg2[%get3A_168, %get3A_169] : memref<32x16xi32, #tpu.memory_space<smem>>
    %get3A_171 = arith.index_cast %add3A_125 : i32 to index
    %get3A_172 = arith.constant 2 : index
    %get3A_173 = memref.load %arg3[%get3A_171, %get3A_172] : memref<32x16xf32, #tpu.memory_space<smem>>
    %mul3A_174 = arith.mulf %get3A_173, %div3A_139 : f32
    %get3A_175 = arith.index_cast %get3A_170 : i32 to index
    %get3A_176 = arith.constant 0 : index
    %get3A_177 = vector.load %arg8[%get3A_175, %get3A_176] : memref<4096x64xf32, #tpu.memory_space<vmem>>, vector<2048x64xf32>
    %mul3A_178 = vector.broadcast %mul3A_174 : f32 to vector<2048x64xf32>
    %mul3A_179 = arith.mulf %mul3A_178, %get3A_177 : vector<2048x64xf32>
    %add3A_180 = arith.addf %add3A_167, %mul3A_179 : vector<2048x64xf32>
    %get3A_181 = arith.index_cast %add3A_125 : i32 to index
    %get3A_182 = arith.constant 3 : index
    %get3A_183 = memref.load %arg2[%get3A_181, %get3A_182] : memref<32x16xi32, #tpu.memory_space<smem>>
    %get3A_184 = arith.index_cast %add3A_125 : i32 to index
    %get3A_185 = arith.constant 3 : index
    %get3A_186 = memref.load %arg3[%get3A_184, %get3A_185] : memref<32x16xf32, #tpu.memory_space<smem>>
    %mul3A_187 = arith.mulf %get3A_186, %div3A_139 : f32
    %get3A_188 = arith.index_cast %get3A_183 : i32 to index
    %get3A_189 = arith.constant 0 : index
    %get3A_190 = vector.load %arg8[%get3A_188, %get3A_189] : memref<4096x64xf32, #tpu.memory_space<vmem>>, vector<2048x64xf32>
    %mul3A_191 = vector.broadcast %mul3A_187 : f32 to vector<2048x64xf32>
    %mul3A_192 = arith.mulf %mul3A_191, %get3A_190 : vector<2048x64xf32>
    %add3A_193 = arith.addf %add3A_180, %mul3A_192 : vector<2048x64xf32>
    %get3A_194 = arith.index_cast %add3A_125 : i32 to index
    %get3A_195 = arith.constant 4 : index
    %get3A_196 = memref.load %arg2[%get3A_194, %get3A_195] : memref<32x16xi32, #tpu.memory_space<smem>>
    %get3A_197 = arith.index_cast %add3A_125 : i32 to index
    %get3A_198 = arith.constant 4 : index
    %get3A_199 = memref.load %arg3[%get3A_197, %get3A_198] : memref<32x16xf32, #tpu.memory_space<smem>>
    %mul3A_200 = arith.mulf %get3A_199, %div3A_139 : f32
    %get3A_201 = arith.index_cast %get3A_196 : i32 to index
    %get3A_202 = arith.constant 0 : index
    %get3A_203 = vector.load %arg8[%get3A_201, %get3A_202] : memref<4096x64xf32, #tpu.memory_space<vmem>>, vector<2048x64xf32>
    %mul3A_204 = vector.broadcast %mul3A_200 : f32 to vector<2048x64xf32>
    %mul3A_205 = arith.mulf %mul3A_204, %get3A_203 : vector<2048x64xf32>
    %add3A_206 = arith.addf %add3A_193, %mul3A_205 : vector<2048x64xf32>
    %get3A_207 = arith.index_cast %add3A_125 : i32 to index
    %get3A_208 = arith.constant 5 : index
    %get3A_209 = memref.load %arg2[%get3A_207, %get3A_208] : memref<32x16xi32, #tpu.memory_space<smem>>
    %get3A_210 = arith.index_cast %add3A_125 : i32 to index
    %get3A_211 = arith.constant 5 : index
    %get3A_212 = memref.load %arg3[%get3A_210, %get3A_211] : memref<32x16xf32, #tpu.memory_space<smem>>
    %mul3A_213 = arith.mulf %get3A_212, %div3A_139 : f32
    %get3A_214 = arith.index_cast %get3A_209 : i32 to index
    %get3A_215 = arith.constant 0 : index
    %get3A_216 = vector.load %arg8[%get3A_214, %get3A_215] : memref<4096x64xf32, #tpu.memory_space<vmem>>, vector<2048x64xf32>
    %mul3A_217 = vector.broadcast %mul3A_213 : f32 to vector<2048x64xf32>
    %mul3A_218 = arith.mulf %mul3A_217, %get3A_216 : vector<2048x64xf32>
    %add3A_219 = arith.addf %add3A_206, %mul3A_218 : vector<2048x64xf32>
    %get3A_220 = arith.index_cast %add3A_125 : i32 to index
    %get3A_221 = arith.constant 6 : index
    %get3A_222 = memref.load %arg2[%get3A_220, %get3A_221] : memref<32x16xi32, #tpu.memory_space<smem>>
    %get3A_223 = arith.index_cast %add3A_125 : i32 to index
    %get3A_224 = arith.constant 6 : index
    %get3A_225 = memref.load %arg3[%get3A_223, %get3A_224] : memref<32x16xf32, #tpu.memory_space<smem>>
    %mul3A_226 = arith.mulf %get3A_225, %div3A_139 : f32
    %get3A_227 = arith.index_cast %get3A_222 : i32 to index
    %get3A_228 = arith.constant 0 : index
    %get3A_229 = vector.load %arg8[%get3A_227, %get3A_228] : memref<4096x64xf32, #tpu.memory_space<vmem>>, vector<2048x64xf32>
    %mul3A_230 = vector.broadcast %mul3A_226 : f32 to vector<2048x64xf32>
    %mul3A_231 = arith.mulf %mul3A_230, %get3A_229 : vector<2048x64xf32>
    %add3A_232 = arith.addf %add3A_219, %mul3A_231 : vector<2048x64xf32>
    %get3A_233 = arith.constant 0 : index
    %get3A_234 = arith.constant 64 : index
    %get3A_235 = arith.constant 0 : index
    %get3A_236 = vector.load %arg5[%get3A_233, %get3A_234, %get3A_235] : memref<1x128x1024xf32, #tpu.memory_space<vmem>>, vector<1x64x1024xf32>
    %get3A_237 = vector.shape_cast %get3A_236 : vector<1x64x1024xf32> to vector<64x1024xf32>
    %convert_element_type3A_238 = arith.truncf %add3A_232 : vector<2048x64xf32> to vector<2048x64xbf16>
    %convert_element_type3A_239 = arith.truncf %get3A_237 : vector<64x1024xf32> to vector<64x1024xbf16>
    %dot_general3A_240 = arith.constant dense<0.000000e+00> : vector<2048x1024xf32>
    %dot_general3A_241 = tpu.matmul %convert_element_type3A_238, %convert_element_type3A_239, %dot_general3A_240 {dimension_numbers = #tpu.dot_dimension_numbers<[1], [0], [0], [1], [0, 0, 1, 1], [], []>, transpose_lhs_hint = false} : vector<2048x64xbf16>, vector<64x1024xbf16>, vector<2048x1024xf32> -> vector<2048x1024xf32>
    %add3A_242 = arith.addf %dot_general3A_118, %dot_general3A_241 : vector<2048x1024xf32>
    %eq3A = arith.constant 0 : i32
    %eq3A_243 = arith.cmpi eq, %arg1, %eq3A : i32
    %convert_element_type3A_244 = arith.extui %eq3A_243 : i1 to i32
    %cond3A = arith.constant 0 : i32
    %cond3A_245 = arith.cmpi ne, %convert_element_type3A_244, %cond3A : i32
    scf.if %cond3A_245 {
      %get3A_250 = arith.constant 0 : index
      %get3A_251 = arith.constant 0 : index
      %get3A_252 = vector.load %arg6[%get3A_250, %get3A_251] : memref<1x1024xf32, #tpu.memory_space<vmem>>, vector<1x1024xf32>
      %get3A_253 = vector.shape_cast %get3A_252 : vector<1x1024xf32> to vector<1024xf32>
      %broadcast_in_dim3A_254 = vector.shape_cast %get3A_253 : vector<1024xf32> to vector<1x1024xf32>
      %add3A_255 = vector.broadcast %broadcast_in_dim3A_254 : vector<1x1024xf32> to vector<2048x1024xf32>
      %add3A_256 = arith.addf %add3A_242, %add3A_255 : vector<2048x1024xf32>
      %swap3A_257 = arith.constant 0 : index
      %swap3A_258 = arith.constant 0 : index
      %swap3A_259 = arith.constant 0 : index
      %swap3A_260 = vector.load %arg7[%swap3A_257, %swap3A_258, %swap3A_259] : memref<1x2048x1024xf32, #tpu.memory_space<vmem>>, vector<1x2048x1024xf32>
      %swap3A_261 = vector.shape_cast %swap3A_260 : vector<1x2048x1024xf32> to vector<2048x1024xf32>
      %swap3A_262 = vector.shape_cast %add3A_256 : vector<2048x1024xf32> to vector<1x2048x1024xf32>
      tpu.vector_store %arg7[%swap3A_257, %swap3A_258, %swap3A_259], %swap3A_262 {strides = array<i32>} : memref<1x2048x1024xf32, #tpu.memory_space<vmem>>, vector<1x2048x1024xf32>,
    } else {
    }
    %ne3A = arith.constant 0 : i32
    %ne3A_246 = arith.cmpi ne, %arg1, %ne3A : i32
    %convert_element_type3A_247 = arith.extui %ne3A_246 : i1 to i32
    %cond3A_248 = arith.constant 0 : i32
    %cond3A_249 = arith.cmpi ne, %convert_element_type3A_247, %cond3A_248 : i32
    scf.if %cond3A_249 {
      %get3A_250 = arith.constant 0 : index
      %get3A_251 = arith.constant 0 : index
      %get3A_252 = arith.constant 0 : index
      %get3A_253 = vector.load %arg7[%get3A_250, %get3A_251, %get3A_252] : memref<1x2048x1024xf32, #tpu.memory_space<vmem>>, vector<1x2048x1024xf32>
      %get3A_254 = vector.shape_cast %get3A_253 : vector<1x2048x1024xf32> to vector<2048x1024xf32>
      %add3A_255 = arith.addf %get3A_254, %add3A_242 : vector<2048x1024xf32>
      %swap3A_256 = arith.constant 0 : index
      %swap3A_257 = arith.constant 0 : index
      %swap3A_258 = arith.constant 0 : index
      %swap3A_259 = vector.load %arg7[%swap3A_256, %swap3A_257, %swap3A_258] : memref<1x2048x1024xf32, #tpu.memory_space<vmem>>, vector<1x2048x1024xf32>
      %swap3A_260 = vector.shape_cast %swap3A_259 : vector<1x2048x1024xf32> to vector<2048x1024xf32>
      %swap3A_261 = vector.shape_cast %add3A_255 : vector<2048x1024xf32> to vector<1x2048x1024xf32>
      tpu.vector_store %arg7[%swap3A_256, %swap3A_257, %swap3A_258], %swap3A_261 {strides = array<i32>} : memref<1x2048x1024xf32, #tpu.memory_space<vmem>>, vector<1x2048x1024xf32>,
    } else {
    }
    return
  }
  func.func @transform_0(%arg0: i32, %arg1: i32) -> (i32, i32) {
    %c0_i32 = arith.constant 0 : i32
    %c0_i32_0 = arith.constant 0 : i32
    %c0_i32_1 = arith.constant 0 : i32
    return %c0_i32, %c0_i32_0 : i32, i32
  }
  func.func @transform_1(%arg0: i32, %arg1: i32) -> (i32, i32) {
    %c0_i32 = arith.constant 0 : i32
    %c0_i32_0 = arith.constant 0 : i32
    %c0_i32_1 = arith.constant 0 : i32
    return %c0_i32, %c0_i32_0 : i32, i32
  }
  func.func @transform_2(%arg0: i32, %arg1: i32) -> (i32, i32, i32) {
    %c0_i32 = arith.constant 0 : i32
    %c0_i32_0 = arith.constant 0 : i32
    %c0_i32_1 = arith.constant 0 : i32
    return %c0_i32, %c0_i32_0, %arg1 : i32, i32, i32
  }
  func.func @transform_3(%arg0: i32, %arg1: i32) -> (i32, i32, i32) {
    %c0_i32 = arith.constant 0 : i32
    %c0_i32_0 = arith.constant 0 : i32
    %c0_i32_1 = arith.constant 0 : i32
    return %arg1, %c0_i32, %c0_i32_0 : i32, i32, i32
  }
  func.func @transform_4(%arg0: i32, %arg1: i32) -> (i32, i32) {
    %c0_i32 = arith.constant 0 : i32
    %c0_i32_0 = arith.constant 0 : i32
    %c0_i32_1 = arith.constant 0 : i32
    return %c0_i32, %c0_i32_0 : i32, i32
  }
  func.func @transform_5(%arg0: i32, %arg1: i32) -> (i32, i32, i32) {
    %c0_i32 = arith.constant 0 : i32
    %c0_i32_0 = arith.constant 0 : i32
    %c0_i32_1 = arith.constant 0 : i32
    return %arg0, %c0_i32, %c0_i32_0 : i32, i32, i32
  }
}

</mosaic_0001>

<sc_bundles>
// kernel: kernel.7.cloned.1.call-start
scs
__scs_entry_jumppad:
0x0: {  	(pc) =	sbr.rel $0x88, $3  }
0x1: {  	(tag) =	ssettag $0x0;
	lr =	simm.s32 $0x1  }
0x2: {  	[smem:$0x3F96] =	sst lr;
	_ =	strace $0xD0000000  }
0x3: {  	_ = 	snop  }
0x4: {  	_ = 	snop  }
0x5: {  	_ = 	snop  }
0x6: {  	_ = 	snop  }
0x7: {  	_ = 	snop  }
__scs_overlays_trampoline_lowered:
0x8: {  	[smem:$0x3FA5] =	sst s0  }
0x9: {  	[smem:$0x3FA6] =	sst s1  }
0xa: {  	[smem:$0x3FA7] =	sst s2  }
0xb: {  	[smem:$0x3FA8] =	sst s3  }
0xc: {  	[smem:$0x3FA9] =	sst s4  }
0xd: {  	[smem:$0x3FAA] =	sst s5  }
0xe: {  	[smem:$0x3FAB] =	sst s6  }
0xf: {  	[smem:$0x3FAC] =	sst s7  }
0x10: {  	[smem:$0x3FAD] =	sst s8  }
0x11: {  	[smem:$0x3FAE] =	sst s9;
	s0 =	simm.s32 @!p0 $0x0  }
0x12: {  	s1 =	sld [smem:$0x3F94];
	s0 =	simm.s32 @p0 $0x1  }
0x13: {  	[smem:$0x3FAF] =	sst s0;
	s0 =	simm.s32 @!p1 $0x0  }
0x14: {  	s2 =	sld [smem:$0x3F93];
	s0 =	simm.s32 @p1 $0x1  }
0x15: {  	[smem:$0x3FB0] =	sst s0;
	s0 =	simm.s32 @!p2 $0x0  }
0x16: {  	s3 =	sld [smem:$0x3FDB];
	s0 =	simm.s32 @p2 $0x1  }
0x17: {  	s4 =	simm.s32 $0x1BF5;
	[smem:$0x3FB2] =	sst s0  }
0x18: {  	s0 =	sld [smem:$0x3F95];
	_ =	swait.ge [sflag:s4], $0x0  }
0x19: {  	s7 =	sld [smem:$0x3F96]  }
0x1a: {  	s8 =	sadd.s32 $0xFFFFE003, lr  }
0x1b: {  	s9 =	sadd.s32 $0xFFFFFEF7, lr;
	s5 =	simm.s32 $0xFFFFFFFF;
	p2 =	slt.u32 s8, $0xFFFFF086  }
0x1c: {  	p1 =	slt.u32 s9, $0xF7A;
	s5 =	simm.s32 @!p2 $0x0  }
0x1d: {  	s5 =	simm.s32 @p1 $0x1;
	p0 =	seq.s32 s7, s2  }
0x1e: {  	s7 =	smul.u32 @!p0 $0xF7A, s2;
	p2 =	seq.s32 @!p0 s5, $0x0  }
0x1f: {  	s9 =	smul.u32 $0xF7A, s1;
	s8 =	simm.s32 @!p0 $0x1BF5;
	p2 =	por !p2, p0  }
0x20: {  	[sflag:s8] =	ssyncset.s32 @!p0 $0xFFFFF086;
	s6 =	sadd.s32 @!p0 s3, s7;
	s7 =	simm.s32 @!p0 $0x108  }
0x21: {  	s3 =	sadd.s32 s3, s9;
	s6 =	sadd.s32 @!p0 $0x88, s6;
	s7 =	simm.s32 @p2 $0x1082  }
0x22: {  	[simem:s7], [sflag:s8] =	dma.local @!p0 [hbm:s6], $0xF7A  }
0x23: {  	s9 =	sor.u32 $0xD0000000, s2;
	s6 =	simm.s32 $0x108;
	_ =	swait.ge @!p0 [sflag:s8], $0x0  }
0x24: {  	s3 =	sadd.s32 $0x88, s3;
	s6 =	simm.s32 @!p1 $0x1082;
	[sflag:s4] =	ssyncset.s32 $0xFFFFF086  }
0x25: {  	[simem:s6], [sflag:s4] =	dma.local [hbm:s3], $0xF7A  }
0x26: {  	[smem:$0x3F96] =	sst s1;
	(tag) =	ssettag s2;
	_ =	strace s9  }
0x27: {  	s1 =	sld [smem:$0x3FA6]  }
0x28: {  	s2 =	sld [smem:$0x3FA7]  }
0x29: {  	s4 =	sld [smem:$0x3FA9]  }
0x2a: {  	p0 =	seq.s32 s5, $0x0;
	s5 =	sld [smem:$0x3FAA]  }
0x2b: {  	s6 =	sld [smem:$0x3FAB]  }
0x2c: {  	s7 =	sld [smem:$0x3FAC]  }
0x2d: {  	s3 =	simm.s32 $0x108;
	s8 =	sld [smem:$0x3FAD]  }
0x2e: {  	s3 =	simm.s32 @!p0 $0x1082;
	s9 =	sld [smem:$0x3FAE]  }
0x2f: {  	lr =	sadd.s32 s0, s3;
	s0 =	sld [smem:$0x3FA5]  }
0x30: {  	s3 =	sld [smem:$0x3FA8]  }
0x31: {  	[smem:$0x3FB1] =	sst s10  }
0x32: {  	s10 =	sld [smem:$0x3FAF];
	_ =	sdelay $0x3  }
0x33: {  	p0 =	seq.s32 s10, $0x1;
	s10 =	sld [smem:$0x3FB1];
	_ =	sdelay $0x3  }
0x34: {  	[smem:$0x3FB1] =	sst s10  }
0x35: {  	s10 =	sld [smem:$0x3FB0];
	_ =	sdelay $0x3  }
0x36: {  	p1 =	seq.s32 s10, $0x1;
	s10 =	sld [smem:$0x3FB1];
	_ =	sdelay $0x3  }
0x37: {  	[smem:$0x3FB1] =	sst s10  }
0x38: {  	s10 =	sld [smem:$0x3FB2]  }
0x39: {  	_ = 	snop;
	(pc) =	sbr.ind lr, $3  }
0x3a: {  	_ = 	snop  }
0x3b: {  	_ = 	snop  }
0x3c: {  	p2 =	seq.s32 s10, $0x1;
	s10 =	sld [smem:$0x3FB1]  }
0x3d: {  	_ =	shalt  }
0x3e: {  	_ =	shalt  }
0x3f: {  	_ =	shalt  }
0x40: {  	_ =	shalt  }
0x41: {  	_ =	shalt  }
0x42: {  	_ =	shalt  }
0x43: {  	_ =	shalt  }
0x44: {  	_ =	shalt  }
0x45: {  	_ =	shalt  }
0x46: {  	_ =	shalt  }
0x47: {  	_ =	shalt  }
0x48: {  	_ =	shalt  }
0x49: {  	_ =	shalt  }
0x4a: {  	_ =	shalt  }
0x4b: {  	_ =	shalt  }
0x4c: {  	_ =	shalt  }
0x4d: {  	_ =	shalt  }
0x4e: {  	_ =	shalt  }
0x4f: {  	_ =	shalt  }
0x50: {  	_ =	shalt  }
0x51: {  	_ =	shalt  }
0x52: {  	_ =	shalt  }
0x53: {  	_ =	shalt  }
0x54: {  	_ =	shalt  }
0x55: {  	_ =	shalt  }
0x56: {  	_ =	shalt  }
0x57: {  	_ =	shalt  }
0x58: {  	_ =	shalt  }
0x59: {  	_ =	shalt  }
0x5a: {  	_ =	shalt  }
0x5b: {  	_ =	shalt  }
0x5c: {  	_ =	shalt  }
0x5d: {  	_ =	shalt  }
0x5e: {  	_ =	shalt  }
0x5f: {  	_ =	shalt  }
0x60: {  	_ =	shalt  }
0x61: {  	_ =	shalt  }
0x62: {  	_ =	shalt  }
0x63: {  	_ =	shalt  }
0x64: {  	_ =	shalt  }
0x65: {  	_ =	shalt  }
0x66: {  	_ =	shalt  }
0x67: {  	_ =	shalt  }
0x68: {  	_ =	shalt  }
0x69: {  	_ =	shalt  }
0x6a: {  	_ =	shalt  }
0x6b: {  	_ =	shalt  }
0x6c: {  	_ =	shalt  }
0x6d: {  	_ =	shalt  }
0x6e: {  	_ =	shalt  }
0x6f: {  	_ =	shalt  }
0x70: {  	_ =	shalt  }
0x71: {  	_ =	shalt  }
0x72: {  	_ =	shalt  }
0x73: {  	_ =	shalt  }
0x74: {  	_ =	shalt  }
0x75: {  	_ =	shalt  }
0x76: {  	_ =	shalt  }
0x77: {  	_ =	shalt  }
0x78: {  	_ =	shalt  }
0x79: {  	_ =	shalt  }
0x7a: {  	_ =	shalt  }
0x7b: {  	_ =	shalt  }
0x7c: {  	_ =	shalt  }
0x7d: {  	_ =	shalt  }
0x7e: {  	_ =	shalt  }
0x7f: {  	_ =	shalt  }
0x80: {  	_ =	shalt  }
0x81: {  	_ =	shalt  }
0x82: {  	_ =	shalt  }
0x83: {  	_ =	shalt  }
0x84: {  	_ =	shalt  }
0x85: {  	_ =	shalt  }
0x86: {  	_ =	shalt  }
0x87: {  	_ =	shalt  }
.Lfunc_end0:
.L_simem_size_0:
called_computation_lowered:
.L_overlay_start_0:
0x88: {  	s2 =	sld [smem:$0x3FD9]  }
0x89: {  	s3 =	sld [smem:$0x3FFE];
	_ =	sdelay $0x1  }
0x8a: {  	s1 =	srdreg.scid  }
0x8b: {  	s0 =	sand.u32 $0x1, s1  }
0x8c: {  	s17 =	sshll.u32 s0, $0xA;
	s2 =	sadd.s32 s3, s2  }
0x8d: {  	s2 =	sadd.s32 s2, s17  }
0x8e: {  	[smem:$0x3FBD] =	sst s2  }
0x8f: {  	_ = 	snop  }
0x90: {  	s2 =	sld [smem:$0x3FD0];
	(tm) =	ssettm $0x1  }
0x91: {  	s18 =	sld [smem:$0x3FFB];
	_ =	sdelay $0x3  }
0x92: {  	_ =	strace s18  }
0x93: {  	s3 =	sld [smem:$0x3FFC];
	_ =	sdelay $0x3  }
0x94: {  	_ =	strace s3  }
0x95: {  	s3 =	sld [smem:$0x3FFD];
	_ =	sdelay $0x3  }
0x96: {  	_ =	strace s3  }
0x97: {  	_ =	strace $0x8FFFFFFF  }
0x98: {  	s19 =	sld [smem:$0x3FDB];
	_ =	sdelay $0x1  }
0x99: {  	s4 =	simm.s32 $_scs_section_size  }
0x9a: {  	s5 =	simm.s32 $_size__tile_overlayer_lowered;
	s6 =	simm.s32 $_tile_overlayer_lowered  }
0x9b: {  	s22 =	simm.s32 $0x1BFF;
	s21 =	sshll.u32 s6, $0x1;
	s3 =	sadd.s32 s4, s19  }
0x9c: {  	s7 =	simm.s32 $0x0;
	s20 =	sshll.u32 s5, $0x1;
	s5 =	sadd.s32 s21, s3  }
0x9d: {  	[timem:s7], [sflag:s22] =	dma.local [hbm:s5], s20  }
0x9e: {  	_ =	swait.ge [sflag:s22], s20  }
0x9f: {  	s4 =	ssub.s32 $0x0, s20;
	[sflag:s22] =	ssyncset.done $0x0  }
0xa0: {  	[sflag:s22] =	ssyncadd.s32 s4;
	_ =	sdelay $0x1  }
0xa1: {  	s23 =	simm.s32 $0x1B8B  }
0xa2: {  	_ =	swait.ge [sflag:s23], $0x1  }
0xa3: {  	[sflag:s23] =	ssyncset.done $0x0  }
0xa4: {  	s25 =	simm.s32 $0x1B8E;
	s24 =	sld [smem:$0x3FFE];
	[sflag:s23] =	ssyncadd.s32 $0xFFFFFFFF  }
0xa5: {  	s26 =	simm.s32 $execute0_lowered;
	[smem:$0x3FD2] =	sst s25  }
0xa6: {  	s5 =	sshll.u32 s26, $0x1;
	_ =	strace $0x80000046;
	[dreg:$0x1] =	wrdreg $0xFFFFFFFF  }
0xa7: {  	s28 =	simm.s32 $_size_execute0_lowered;
	s3 =	sadd.s32 s3, s5;
	[dreg:$0x0] =	wrdreg $0x0  }
0xa8: {  	s5 =	sshll.u32 s28, $0x1;
	[dreg:$0x2] =	wrdreg s3  }
0xa9: {  	[dreg:$0x3] =	wrdreg s5  }
0xaa: {  	[dreg:$0x4] =	wrdreg $0xC0  }
0xab: {  	_ =	task [dreg:s7], $0x5FFFF  }
0xac: {  	[dreg:$0x1] =	wrdreg $0xFFFFFFFF  }
0xad: {  	[dreg:$0x0] =	wrdreg $0x60  }
0xae: {  	[dreg:$0x2] =	wrdreg s2  }
0xaf: {  	[dreg:$0x3] =	wrdreg s24  }
0xb0: {  	[dreg:$0x4] =	wrdreg $0x9  }
0xb1: {  	_ =	task.clear_ibuf [dreg:s7], $0x5FFFF;
	_ =	strace $0x90000046  }
0xb2: {  	s29 =	simm.s32 $0x9;
	_ =	strace $0x80000048  }
0xb3: {  	_ =	swait.ge [sflag:s29], $0x1  }
0xb4: {  	[sflag:s29] =	ssyncadd.s32 $0xFFFFFFFF  }
0xb5: {  	_ =	strace $0x90000048  }
0xb6: {  	_ =	sfence  }
0xb7: {  	s30 =	sld [smem:$0x0];
	_ =	sdelay $0x2  }
0xb8: {  	s31 =	sshll.u32 s1, $0xD;
	s1 =	sshrl.u32 s1, $0x2  }
0xb9: {  	s3 =	sand.u32 $0x4000, s31;
	s1 =	sadd.s32 s1, s30  }
0xba: {  	s0 =	sor.u32 s3, s0;
	s1 =	sshll.u32 s1, $0x11  }
0xbb: {  	s0 =	sor.u32 s1, s0  }
0xbc: {  	s0 =	sadd.s32 $0x8F2B, s0  }
0xbd: {  	[sflag:s0] =	ssyncadd.remote.s32 $0x1  }
0xbe: {  	_ =	sfence.sel $0xFFFF  }
0xbf: {  	[dreg:$0x0] =	wrdreg $0xFFFFFFFF;
	(pc) =	sbr.abs _section_cstart, $3  }
0xc0: {  	[dreg:$0x1] =	wrdreg $0xFFFFFFFF  }
0xc1: {  	_ =	task.clear_ibuf [dreg:s7], $0x2FFFF;
	_ =	strace $0x9FFFFFFF  }
0xc2: {  	(tm) =	ssettm $0x7FFFFFFF  }
0xc3: {  	_ =	shalt  }
tec
execute0_lowered:
.L_overlay_start_1:
0x0: {  	(tag) =	ssettag $0x1  }
0x1: {  	s3 =	rddreg [dreg:$0x0]  }
0x2: {  	s4 =	rddreg [dreg:$0x1]  }
0x3: {  	s0 =	rddreg [dreg:$0x2];
	s2 =	simm.s32 $0x0  }
0x4: {  	s5 =	srdreg.scid;
	s1 =	stileid.u32;
	s9 =	simm.s32 $0x1  }
0x5: {  	s10 =	simm.s32 $0x800;
	s11 =	simm.s32 $0x880;
	s12 =	simm.s32 $0x0  }
0x6: {  	[smem:$0x7FF] =	sst s2;
	s5 =	sand.u32 $0x1, s5;
	s6 =	sshll.u32 s1, $0x8  }
0x7: {  	s7 =	sshrl.u32 s1, $0x2;
	s8 =	sshll.u32 s5, $0x7;
	s6 =	sand.u32 $0x300, s6  }
0x8: {  	_ =	strace $0x80000047;
	s29 =	sshll.u32 s7, $0xA;
	s6 =	sor.u32 s8, s6  }
0x9: {  	s7 =	sshll.u32 s7, $0xE;
	s5 =	ssub.s32 $0x2, s5;
	s8 =	sor.u32 s29, s6  }
0xa: {  	v0 =	vlaneseq.u32;
	vm0 =	vcmask $0x300;
	s31 =	sshrl.u32 s5, $0x1;
	s6 =	sor.u32 s7, s6;
	s30 =	sshrl.u32 s8, $0x3  }
0xb: {  	vm1 =	vmmov $0x1;
	vm2 =	vcmask $0x31C;
	vm3 =	vcmask $0x71C;
	s6 =	sshrl.u32 s6, $0x3;
	s8 =	ssub.s32 s5, s31;
	s7 =	sadd.s32 s30, s4  }
0xc: {  	vm4 =	vcmask $0xB1C;
	vm5 =	vcmask $0xF1C;
	vm6 =	vcmask $0x131C;
	s3 =	sadd.s32 s3, s6;
	s6 =	smax.u32 s8, $0x1;
	s8 =	simm.s32 $0x400  }
0xd: {  	vm7 =	vcmask $0x171C;
	vm8 =	vcmask $0x1F1C;
	v1 =	vor.u32 $0x80000000, v0;
	s4 =	sadd.s32 $0x3200, s7;
	s5 =	sadd.s32 $0x3400, s7;
	s7 =	simm.s32 $0x80  }
.LBB2_1:
0xe: {  	[tilespmem:s2], [sflag:$0x1] =	stream.strided.gather [hbm4b:s3+s7], $0x800, s8, s7, $0x38;
	[tilespmem:$0x900] =	vst v63  }
0xf: {  	_ =	swait.ge [sflag:s9], $0x800  }
0x10: {  	[sflag:s9] =	ssyncset.done $0x0  }
0x11: {  	s14 =	simm.s32 $0x0;
	[sflag:s9] =	ssyncadd.s32 $0xFFFFF800  }
0x12: {  	v2 =	vimm.f32 $-Inf;
	s13 =	simm.s32 $0x40;
	v3 =	vld [tilespmem:s14+$0x0]  }
.LBB2_2:
0x13: {  	p0 =	sne.s32 s13, $0x1FC0  }
.Ltmp0:
0x14: {  	_ = 	snop;
	(pc) =	sbr.rel @p0 .LBB2_2-.Ltmp0, $3  }
0x15: {  	_ =	sdelay $0x1  }
0x16: {  	s14 =	sshra.s32 s13, $0x2;
	s13 =	sadd.s32 $0x40, s13;
	v2 =	vmax.f32 v2, v3  }
0x17: {  	v3 =	vld [tilespmem:s14+$0x0]  }
0x18: {  	_ =	sdelay $0x3  }
0x19: {  	v2 =	vmax.f32 v2, v3  }
0x1a: {  	(xrf0) =	vmax.scan.msk.f32 $0xffff, v2;
	_ =	sdelay $0x2  }
0x1b: {  	s13 =	simm.s32 $0x0  }
0x1c: {  	v3 =	vld [tilespmem:s13+$0x0];
	_ =	sdelay $0x1  }
0x1d: {  	v2, _, _ =	vpop (xrf0)  }
0x1e: {  	v2 =	vbroadcast v2, $0xF;
	_ =	sdelay $0x1  }
0x1f: {  	vm9 =	veq.f32 v3, v2;
	v3 =	vor.u32 s13, v1  }
0x20: {  	v3 =	vnsel vm9, $0x80000800, v3  }
0x21: {  	(xrf0) =	vmin.scan.msk.u32 $0xffff, v3;
	_ =	sdelay $0x4  }
0x22: {  	s30 =	simm.s32 $0x10  }
0x23: {  	s14 =	simm.s32 $0x20;
	v4 =	vld [tilespmem:s30+$0x0];
	v3, _, _ =	vpop (xrf0)  }
0x24: {  	(v2sf) =	vpush v3, $0xF;
	v3 =	vld [tilespmem:s14+$0x0];
	_ =	sdelay $0x3  }
0x25: {  	vm9 =	veq.f32 v4, v2;
	v4 =	vor.u32 s30, v1  }
0x26: {  	v4 =	vnsel vm9, $0x80000800, v4;
	vm9 =	veq.f32 v3, v2;
	v3 =	vor.u32 s14, v1  }
0x27: {  	(xrf0) =	vmin.scan.msk.u32 $0xffff, v4;
	v3 =	vnsel vm9, $0x80000800, v3  }
0x28: {  	(xrf0) =	vmin.scan.msk.u32 $0xffff, v3;
	_ =	sdelay $0x3  }
0x29: {  	s31 =	simm.s32 $0x30  }
0x2a: {  	v4 =	vld [tilespmem:s31+$0x0];
	v5, _, _ =	vpop (xrf0)  }
0x2b: {  	(v2sf) =	vpush v5, $0xF;
	v5, _, _ =	vpop (xrf0)  }
0x2c: {  	(v2sf) =	vpush v5, $0xF;
	_ =	sdelay $0x1  }
0x2d: {  	s15 =	simm.s32 $0x40  }
0x2e: {  	vm9 =	veq.f32 v4, v2;
	v4 =	vor.u32 s31, v1;
	v3 =	vld [tilespmem:s15+$0x0]  }
0x2f: {  	v4 =	vnsel vm9, $0x80000800, v4  }
0x30: {  	(xrf0) =	vmin.scan.msk.u32 $0xffff, v4;
	_ =	sdelay $0x1  }
0x31: {  	s13 =	simm.s32 $0x800  }
0x32: {  	s14 =	simm.s32 $0x50;
	vm9 =	veq.f32 v3, v2;
	v3 =	vor.u32 s15, v1;
	s15 =	simm.s32 $0x50;
	s16 =	spop (v2sf)  }
.LBB2_4:
0x33: {  	s17 =	smov.u32 s13;
	p0 =	sne.s32 s14, $0x7F0  }
0x34: {  	v5 =	vnsel vm9, $0x80000800, v3;
	s13 =	sxor.u32 $0x80000000, s16;
	s16 =	smov.u32 s14;
	s14 =	sadd.s32 $0x10, s14;
	v4 =	vld [tilespmem:s15+$0x0]  }
.Ltmp1:
0x35: {  	p1 =	slt.s32 s17, s13;
	(xrf0) =	vmin.scan.msk.u32 $0xffff, v5;
	v3, _, _ =	vpop (xrf0);
	(pc) =	sbr.rel @p0 .LBB2_4-.Ltmp1, $2  }
0x36: {  	s13 =	smov.u32 @p1 s17;
	(v2sf) =	vpush v3, $0xF;
	_ =	sdelay $0x2  }
0x37: {  	s15 =	sadd.s32 $0x10, s15;
	v3 =	vor.u32 s16, v1;
	vm9 =	veq.f32 v4, v2;
	s16 =	spop (v2sf)  }
0x38: {  	v3 =	vnsel vm9, $0x80000800, v3  }
0x39: {  	(xrf0) =	vmin.scan.msk.u32 $0xffff, v3;
	_ =	sdelay $0x3  }
0x3a: {  	v3, _, _ =	vpop (xrf0)  }
0x3b: {  	(v2sf) =	vpush v3, $0xF  }
0x3c: {  	v3, _, _ =	vpop (xrf0)  }
0x3d: {  	(v2sf) =	vpush v3, $0xF;
	_ =	sdelay $0x7  }
0x3e: {  	s14 =	sxor.u32 $0x80000000, s16  }
0x3f: {  	s15 =	spop (v2sf);
	p0 =	slt.s32 s13, s14  }
0x40: {  	s14 =	smov.u32 @p0 s13;
	s13 =	sxor.u32 $0x80000000, s15  }
0x41: {  	p0 =	slt.s32 s14, s13;
	s26 =	spop (v2sf)  }
0x42: {  	s13 =	smov.u32 @p0 s14;
	s14 =	sxor.u32 $0x80000000, s26  }
0x43: {  	p0 =	slt.s32 s13, s14;
	s28 =	spop (v2sf)  }
0x44: {  	s14 =	smov.u32 @p0 s13;
	s15 =	sxor.u32 $0x80000000, s28  }
0x45: {  	p0 =	slt.s32 s14, s15;
	s29 =	spop (v2sf)  }
0x46: {  	s15 =	smov.u32 @p0 s14;
	s13 =	sxor.u32 $0x80000000, s29  }
0x47: {  	p0 =	slt.s32 s15, s13  }
0x48: {  	s13 =	smov.u32 @p0 s15  }
0x49: {  	s30 =	sand.u32 $0xFFFFFFF0, s13  }
0x4a: {  	v3 =	vld [tilespmem:s30+$0x0];
	_ =	sdelay $0x2  }
0x4b: {  	v4 =	vor.u32 s30, v0  }
0x4c: {  	vm9 =	veq.s32 v4, s13  }
0x4d: {  	v3 =	vsel vm9, $0xFF800000, v3  }
0x4e: {  	s31 =	simm.s32 $0x0;
	[tilespmem:s30+$0x0] =	vst v3  }
0x4f: {  	s14 =	simm.s32 $0x40;
	v3 =	vimm.f32 $-Inf;
	v4 =	vld [tilespmem:s31+$0x0]  }
.LBB2_6:
0x50: {  	p0 =	sne.s32 s14, $0x1FC0  }
.Ltmp2:
0x51: {  	_ = 	snop;
	(pc) =	sbr.rel @p0 .LBB2_6-.Ltmp2, $3  }
0x52: {  	_ =	sdelay $0x1  }
0x53: {  	s15 =	sshra.s32 s14, $0x2;
	s14 =	sadd.s32 $0x40, s14;
	v3 =	vmax.f32 v3, v4  }
0x54: {  	v4 =	vld [tilespmem:s15+$0x0]  }
0x55: {  	_ =	sdelay $0x3  }
0x56: {  	v3 =	vmax.f32 v3, v4  }
0x57: {  	(xrf0) =	vmax.scan.msk.f32 $0xffff, v3;
	_ =	sdelay $0x2  }
0x58: {  	s14 =	simm.s32 $0x0  }
0x59: {  	v4 =	vld [tilespmem:s14+$0x0];
	_ =	sdelay $0x1  }
0x5a: {  	v3, _, _ =	vpop (xrf0)  }
0x5b: {  	v3 =	vbroadcast v3, $0xF;
	_ =	sdelay $0x1  }
0x5c: {  	vm9 =	veq.f32 v4, v3;
	v4 =	vor.u32 s14, v1  }
0x5d: {  	v4 =	vnsel vm9, $0x80000800, v4  }
0x5e: {  	(xrf0) =	vmin.scan.msk.u32 $0xffff, v4;
	_ =	sdelay $0x4  }
0x5f: {  	s30 =	simm.s32 $0x10  }
0x60: {  	s15 =	simm.s32 $0x20;
	v5 =	vld [tilespmem:s30+$0x0];
	v4, _, _ =	vpop (xrf0)  }
0x61: {  	(v2sf) =	vpush v4, $0xF;
	v4 =	vld [tilespmem:s15+$0x0];
	_ =	sdelay $0x3  }
0x62: {  	vm9 =	veq.f32 v5, v3;
	v5 =	vor.u32 s30, v1  }
0x63: {  	v5 =	vnsel vm9, $0x80000800, v5;
	vm9 =	veq.f32 v4, v3;
	v4 =	vor.u32 s15, v1  }
0x64: {  	(xrf0) =	vmin.scan.msk.u32 $0xffff, v5;
	v4 =	vnsel vm9, $0x80000800, v4  }
0x65: {  	(xrf0) =	vmin.scan.msk.u32 $0xffff, v4;
	_ =	sdelay $0x3  }
0x66: {  	s31 =	simm.s32 $0x30  }
0x67: {  	v5 =	vld [tilespmem:s31+$0x0];
	v6, _, _ =	vpop (xrf0)  }
0x68: {  	(v2sf) =	vpush v6, $0xF;
	v6, _, _ =	vpop (xrf0)  }
0x69: {  	(v2sf) =	vpush v6, $0xF;
	_ =	sdelay $0x1  }
0x6a: {  	s16 =	simm.s32 $0x40  }
0x6b: {  	vm9 =	veq.f32 v5, v3;
	v5 =	vor.u32 s31, v1;
	v4 =	vld [tilespmem:s16+$0x0]  }
0x6c: {  	v5 =	vnsel vm9, $0x80000800, v5  }
0x6d: {  	(xrf0) =	vmin.scan.msk.u32 $0xffff, v5;
	_ =	sdelay $0x1  }
0x6e: {  	s14 =	simm.s32 $0x800  }
0x6f: {  	s15 =	simm.s32 $0x50;
	vm9 =	veq.f32 v4, v3;
	v4 =	vor.u32 s16, v1;
	s16 =	simm.s32 $0x50;
	s17 =	spop (v2sf)  }
.LBB2_8:
0x70: {  	s18 =	smov.u32 s14;
	p0 =	sne.s32 s15, $0x7F0  }
0x71: {  	v6 =	vnsel vm9, $0x80000800, v4;
	s14 =	sxor.u32 $0x80000000, s17;
	s17 =	smov.u32 s15;
	s15 =	sadd.s32 $0x10, s15;
	v5 =	vld [tilespmem:s16+$0x0]  }
.Ltmp3:
0x72: {  	p1 =	slt.s32 s18, s14;
	(xrf0) =	vmin.scan.msk.u32 $0xffff, v6;
	v4, _, _ =	vpop (xrf0);
	(pc) =	sbr.rel @p0 .LBB2_8-.Ltmp3, $2  }
0x73: {  	s14 =	smov.u32 @p1 s18;
	(v2sf) =	vpush v4, $0xF;
	_ =	sdelay $0x2  }
0x74: {  	s16 =	sadd.s32 $0x10, s16;
	v4 =	vor.u32 s17, v1;
	vm9 =	veq.f32 v5, v3;
	s17 =	spop (v2sf)  }
0x75: {  	v4 =	vnsel vm9, $0x80000800, v4  }
0x76: {  	(xrf0) =	vmin.scan.msk.u32 $0xffff, v4;
	_ =	sdelay $0x3  }
0x77: {  	v4, _, _ =	vpop (xrf0)  }
0x78: {  	(v2sf) =	vpush v4, $0xF  }
0x79: {  	v4, _, _ =	vpop (xrf0)  }
0x7a: {  	(v2sf) =	vpush v4, $0xF;
	_ =	sdelay $0x7  }
0x7b: {  	s15 =	sxor.u32 $0x80000000, s17  }
0x7c: {  	s16 =	spop (v2sf);
	p0 =	slt.s32 s14, s15  }
0x7d: {  	s15 =	smov.u32 @p0 s14;
	s14 =	sxor.u32 $0x80000000, s16  }
0x7e: {  	p0 =	slt.s32 s15, s14;
	s28 =	spop (v2sf)  }
0x7f: {  	s14 =	smov.u32 @p0 s15;
	s15 =	sxor.u32 $0x80000000, s28  }
0x80: {  	p0 =	slt.s32 s14, s15;
	s29 =	spop (v2sf)  }
0x81: {  	s15 =	smov.u32 @p0 s14;
	s14 =	sxor.u32 $0x80000000, s29  }
0x82: {  	p0 =	slt.s32 s15, s14;
	s30 =	spop (v2sf)  }
0x83: {  	s14 =	smov.u32 @p0 s15;
	s15 =	sxor.u32 $0x80000000, s30  }
0x84: {  	p0 =	slt.s32 s14, s15  }
0x85: {  	s15 =	smov.u32 @p0 s14  }
0x86: {  	s14 =	sand.u32 $0xFFFFFFF0, s15  }
0x87: {  	v4 =	vld [tilespmem:s14+$0x0];
	_ =	sdelay $0x2  }
0x88: {  	v5 =	vor.u32 s14, v0  }
0x89: {  	vm9 =	veq.s32 v5, s15  }
0x8a: {  	v4 =	vsel vm9, $0xFF800000, v4  }
0x8b: {  	s31 =	simm.s32 $0x0;
	[tilespmem:s14+$0x0] =	vst v4  }
0x8c: {  	v5 =	vimm.f32 $-Inf;
	v4 =	vmov s15;
	s14 =	simm.s32 $0x40;
	v6 =	vld [tilespmem:s31+$0x0]  }
.LBB2_10:
0x8d: {  	p0 =	sne.s32 s14, $0x1FC0  }
.Ltmp4:
0x8e: {  	_ = 	snop;
	(pc) =	sbr.rel @p0 .LBB2_10-.Ltmp4, $3  }
0x8f: {  	_ =	sdelay $0x1  }
0x90: {  	s15 =	sshra.s32 s14, $0x2;
	s14 =	sadd.s32 $0x40, s14;
	v5 =	vmax.f32 v5, v6  }
0x91: {  	v6 =	vld [tilespmem:s15+$0x0]  }
0x92: {  	_ =	sdelay $0x3  }
0x93: {  	v5 =	vmax.f32 v5, v6  }
0x94: {  	(xrf0) =	vmax.scan.msk.f32 $0xffff, v5;
	_ =	sdelay $0x2  }
0x95: {  	s14 =	simm.s32 $0x0  }
0x96: {  	v6 =	vld [tilespmem:s14+$0x0];
	_ =	sdelay $0x1  }
0x97: {  	v5, _, _ =	vpop (xrf0)  }
0x98: {  	v5 =	vbroadcast v5, $0xF;
	_ =	sdelay $0x1  }
0x99: {  	vm9 =	veq.f32 v6, v5;
	v6 =	vor.u32 s14, v1  }
0x9a: {  	v6 =	vnsel vm9, $0x80000800, v6  }
0x9b: {  	(xrf0) =	vmin.scan.msk.u32 $0xffff, v6;
	_ =	sdelay $0x4  }
0x9c: {  	s30 =	simm.s32 $0x10  }
0x9d: {  	s15 =	simm.s32 $0x20;
	v7 =	vld [tilespmem:s30+$0x0];
	v6, _, _ =	vpop (xrf0)  }
0x9e: {  	(v2sf) =	vpush v6, $0xF;
	v6 =	vld [tilespmem:s15+$0x0];
	_ =	sdelay $0x3  }
0x9f: {  	vm9 =	veq.f32 v7, v5;
	v7 =	vor.u32 s30, v1  }
0xa0: {  	v7 =	vnsel vm9, $0x80000800, v7;
	vm9 =	veq.f32 v6, v5;
	v6 =	vor.u32 s15, v1  }
0xa1: {  	(xrf0) =	vmin.scan.msk.u32 $0xffff, v7;
	v6 =	vnsel vm9, $0x80000800, v6  }
0xa2: {  	(xrf0) =	vmin.scan.msk.u32 $0xffff, v6;
	_ =	sdelay $0x3  }
0xa3: {  	s31 =	simm.s32 $0x30  }
0xa4: {  	v7 =	vld [tilespmem:s31+$0x0];
	v8, _, _ =	vpop (xrf0)  }
0xa5: {  	(v2sf) =	vpush v8, $0xF;
	v8, _, _ =	vpop (xrf0)  }
0xa6: {  	(v2sf) =	vpush v8, $0xF;
	_ =	sdelay $0x1  }
0xa7: {  	s16 =	simm.s32 $0x40  }
0xa8: {  	vm9 =	veq.f32 v7, v5;
	v7 =	vor.u32 s31, v1;
	v6 =	vld [tilespmem:s16+$0x0]  }
0xa9: {  	v7 =	vnsel vm9, $0x80000800, v7  }
0xaa: {  	(xrf0) =	vmin.scan.msk.u32 $0xffff, v7;
	_ =	sdelay $0x1  }
0xab: {  	s14 =	simm.s32 $0x800  }
0xac: {  	s15 =	simm.s32 $0x50;
	vm9 =	veq.f32 v6, v5;
	v6 =	vor.u32 s16, v1;
	s16 =	simm.s32 $0x50;
	s17 =	spop (v2sf)  }
.LBB2_12:
0xad: {  	s18 =	smov.u32 s14;
	p0 =	sne.s32 s15, $0x7F0  }
0xae: {  	v8 =	vnsel vm9, $0x80000800, v6;
	s14 =	sxor.u32 $0x80000000, s17;
	s17 =	smov.u32 s15;
	s15 =	sadd.s32 $0x10, s15;
	v7 =	vld [tilespmem:s16+$0x0]  }
.Ltmp5:
0xaf: {  	p1 =	slt.s32 s18, s14;
	(xrf0) =	vmin.scan.msk.u32 $0xffff, v8;
	v6, _, _ =	vpop (xrf0);
	(pc) =	sbr.rel @p0 .LBB2_12-.Ltmp5, $2  }
0xb0: {  	s14 =	smov.u32 @p1 s18;
	(v2sf) =	vpush v6, $0xF;
	_ =	sdelay $0x2  }
0xb1: {  	s16 =	sadd.s32 $0x10, s16;
	v6 =	vor.u32 s17, v1;
	vm9 =	veq.f32 v7, v5;
	s17 =	spop (v2sf)  }
0xb2: {  	v6 =	vnsel vm9, $0x80000800, v6  }
0xb3: {  	(xrf0) =	vmin.scan.msk.u32 $0xffff, v6;
	_ =	sdelay $0x3  }
0xb4: {  	v6, _, _ =	vpop (xrf0)  }
0xb5: {  	(v2sf) =	vpush v6, $0xF  }
0xb6: {  	v6, _, _ =	vpop (xrf0)  }
0xb7: {  	(v2sf) =	vpush v6, $0xF;
	_ =	sdelay $0x7  }
0xb8: {  	s15 =	sxor.u32 $0x80000000, s17  }
0xb9: {  	s16 =	spop (v2sf);
	p0 =	slt.s32 s14, s15  }
0xba: {  	s15 =	smov.u32 @p0 s14;
	s14 =	sxor.u32 $0x80000000, s16  }
0xbb: {  	p0 =	slt.s32 s15, s14;
	s28 =	spop (v2sf)  }
0xbc: {  	s14 =	smov.u32 @p0 s15;
	s15 =	sxor.u32 $0x80000000, s28  }
0xbd: {  	p0 =	slt.s32 s14, s15;
	s29 =	spop (v2sf)  }
0xbe: {  	s15 =	smov.u32 @p0 s14;
	s14 =	sxor.u32 $0x80000000, s29  }
0xbf: {  	p0 =	slt.s32 s15, s14;
	s30 =	spop (v2sf)  }
0xc0: {  	s14 =	smov.u32 @p0 s15;
	s15 =	sxor.u32 $0x80000000, s30  }
0xc1: {  	p0 =	slt.s32 s14, s15  }
0xc2: {  	s15 =	smov.u32 @p0 s14  }
0xc3: {  	s14 =	sand.u32 $0xFFFFFFF0, s15  }
0xc4: {  	v6 =	vld [tilespmem:s14+$0x0];
	_ =	sdelay $0x2  }
0xc5: {  	v7 =	vor.u32 s14, v0  }
0xc6: {  	vm9 =	veq.s32 v7, s15  }
0xc7: {  	v6 =	vsel vm9, $0xFF800000, v6  }
0xc8: {  	s31 =	simm.s32 $0x0;
	[tilespmem:s14+$0x0] =	vst v6  }
0xc9: {  	v7 =	vimm.f32 $-Inf;
	v6 =	vmov s15;
	s14 =	simm.s32 $0x40;
	v8 =	vld [tilespmem:s31+$0x0]  }
.LBB2_14:
0xca: {  	p0 =	sne.s32 s14, $0x1FC0  }
.Ltmp6:
0xcb: {  	_ = 	snop;
	(pc) =	sbr.rel @p0 .LBB2_14-.Ltmp6, $3  }
0xcc: {  	_ =	sdelay $0x1  }
0xcd: {  	s15 =	sshra.s32 s14, $0x2;
	s14 =	sadd.s32 $0x40, s14;
	v7 =	vmax.f32 v7, v8  }
0xce: {  	v8 =	vld [tilespmem:s15+$0x0]  }
0xcf: {  	_ =	sdelay $0x3  }
0xd0: {  	v7 =	vmax.f32 v7, v8  }
0xd1: {  	(xrf0) =	vmax.scan.msk.f32 $0xffff, v7;
	_ =	sdelay $0x2  }
0xd2: {  	s14 =	simm.s32 $0x0  }
0xd3: {  	v8 =	vld [tilespmem:s14+$0x0];
	_ =	sdelay $0x1  }
0xd4: {  	v7, _, _ =	vpop (xrf0)  }
0xd5: {  	v7 =	vbroadcast v7, $0xF;
	_ =	sdelay $0x1  }
0xd6: {  	vm9 =	veq.f32 v8, v7;
	v8 =	vor.u32 s14, v1  }
0xd7: {  	v8 =	vnsel vm9, $0x80000800, v8  }
0xd8: {  	(xrf0) =	vmin.scan.msk.u32 $0xffff, v8;
	_ =	sdelay $0x4  }
0xd9: {  	s30 =	simm.s32 $0x10  }
0xda: {  	s15 =	simm.s32 $0x20;
	v9 =	vld [tilespmem:s30+$0x0];
	v8, _, _ =	vpop (xrf0)  }
0xdb: {  	(v2sf) =	vpush v8, $0xF;
	v8 =	vld [tilespmem:s15+$0x0];
	_ =	sdelay $0x3  }
0xdc: {  	vm9 =	veq.f32 v9, v7;
	v9 =	vor.u32 s30, v1  }
0xdd: {  	v9 =	vnsel vm9, $0x80000800, v9;
	vm9 =	veq.f32 v8, v7;
	v8 =	vor.u32 s15, v1  }
0xde: {  	(xrf0) =	vmin.scan.msk.u32 $0xffff, v9;
	v8 =	vnsel vm9, $0x80000800, v8  }
0xdf: {  	(xrf0) =	vmin.scan.msk.u32 $0xffff, v8;
	_ =	sdelay $0x3  }
0xe0: {  	s31 =	simm.s32 $0x30  }
0xe1: {  	v9 =	vld [tilespmem:s31+$0x0];
	v10, _, _ =	vpop (xrf0)  }
0xe2: {  	(v2sf) =	vpush v10, $0xF;
	v10, _, _ =	vpop (xrf0)  }
0xe3: {  	(v2sf) =	vpush v10, $0xF;
	_ =	sdelay $0x1  }
0xe4: {  	s16 =	simm.s32 $0x40  }
0xe5: {  	vm9 =	veq.f32 v9, v7;
	v9 =	vor.u32 s31, v1;
	v8 =	vld [tilespmem:s16+$0x0]  }
0xe6: {  	v9 =	vnsel vm9, $0x80000800, v9  }
0xe7: {  	(xrf0) =	vmin.scan.msk.u32 $0xffff, v9;
	_ =	sdelay $0x1  }
0xe8: {  	s14 =	simm.s32 $0x800  }
0xe9: {  	s15 =	simm.s32 $0x50;
	vm9 =	veq.f32 v8, v7;
	v8 =	vor.u32 s16, v1;
	s16 =	simm.s32 $0x50;
	s17 =	spop (v2sf)  }
.LBB2_16:
0xea: {  	s18 =	smov.u32 s14;
	p0 =	sne.s32 s15, $0x7F0  }
0xeb: {  	v10 =	vnsel vm9, $0x80000800, v8;
	s14 =	sxor.u32 $0x80000000, s17;
	s17 =	smov.u32 s15;
	s15 =	sadd.s32 $0x10, s15;
	v9 =	vld [tilespmem:s16+$0x0]  }
.Ltmp7:
0xec: {  	p1 =	slt.s32 s18, s14;
	(xrf0) =	vmin.scan.msk.u32 $0xffff, v10;
	v8, _, _ =	vpop (xrf0);
	(pc) =	sbr.rel @p0 .LBB2_16-.Ltmp7, $2  }
0xed: {  	s14 =	smov.u32 @p1 s18;
	(v2sf) =	vpush v8, $0xF;
	_ =	sdelay $0x2  }
0xee: {  	s16 =	sadd.s32 $0x10, s16;
	v8 =	vor.u32 s17, v1;
	vm9 =	veq.f32 v9, v7;
	s17 =	spop (v2sf)  }
0xef: {  	v8 =	vnsel vm9, $0x80000800, v8  }
0xf0: {  	(xrf0) =	vmin.scan.msk.u32 $0xffff, v8;
	_ =	sdelay $0x3  }
0xf1: {  	v8, _, _ =	vpop (xrf0)  }
0xf2: {  	(v2sf) =	vpush v8, $0xF  }
0xf3: {  	v8, _, _ =	vpop (xrf0)  }
0xf4: {  	(v2sf) =	vpush v8, $0xF;
	_ =	sdelay $0x7  }
0xf5: {  	s15 =	sxor.u32 $0x80000000, s17  }
0xf6: {  	s16 =	spop (v2sf);
	p0 =	slt.s32 s14, s15  }
0xf7: {  	s15 =	smov.u32 @p0 s14;
	s14 =	sxor.u32 $0x80000000, s16  }
0xf8: {  	p0 =	slt.s32 s15, s14;
	s28 =	spop (v2sf)  }
0xf9: {  	s14 =	smov.u32 @p0 s15;
	s15 =	sxor.u32 $0x80000000, s28  }
0xfa: {  	p0 =	slt.s32 s14, s15;
	s29 =	spop (v2sf)  }
0xfb: {  	s15 =	smov.u32 @p0 s14;
	s14 =	sxor.u32 $0x80000000, s29  }
0xfc: {  	p0 =	slt.s32 s15, s14;
	s30 =	spop (v2sf)  }
0xfd: {  	s14 =	smov.u32 @p0 s15;
	s15 =	sxor.u32 $0x80000000, s30  }
0xfe: {  	p0 =	slt.s32 s14, s15  }
0xff: {  	s15 =	smov.u32 @p0 s14  }
0x100: {  	s14 =	sand.u32 $0xFFFFFFF0, s15  }
0x101: {  	v8 =	vld [tilespmem:s14+$0x0];
	_ =	sdelay $0x2  }
0x102: {  	v9 =	vor.u32 s14, v0  }
0x103: {  	vm9 =	veq.s32 v9, s15  }
0x104: {  	v8 =	vsel vm9, $0xFF800000, v8  }
0x105: {  	s31 =	simm.s32 $0x0;
	[tilespmem:s14+$0x0] =	vst v8  }
0x106: {  	v9 =	vimm.f32 $-Inf;
	v8 =	vmov s15;
	s14 =	simm.s32 $0x40;
	v10 =	vld [tilespmem:s31+$0x0]  }
.LBB2_18:
0x107: {  	p0 =	sne.s32 s14, $0x1FC0  }
.Ltmp8:
0x108: {  	_ = 	snop;
	(pc) =	sbr.rel @p0 .LBB2_18-.Ltmp8, $3  }
0x109: {  	_ =	sdelay $0x1  }
0x10a: {  	s15 =	sshra.s32 s14, $0x2;
	s14 =	sadd.s32 $0x40, s14;
	v9 =	vmax.f32 v9, v10  }
0x10b: {  	v10 =	vld [tilespmem:s15+$0x0]  }
0x10c: {  	_ =	sdelay $0x3  }
0x10d: {  	v9 =	vmax.f32 v9, v10  }
0x10e: {  	(xrf0) =	vmax.scan.msk.f32 $0xffff, v9;
	_ =	sdelay $0x2  }
0x10f: {  	s14 =	simm.s32 $0x0  }
0x110: {  	v10 =	vld [tilespmem:s14+$0x0];
	_ =	sdelay $0x1  }
0x111: {  	v9, _, _ =	vpop (xrf0)  }
0x112: {  	v9 =	vbroadcast v9, $0xF;
	_ =	sdelay $0x1  }
0x113: {  	vm9 =	veq.f32 v10, v9;
	v10 =	vor.u32 s14, v1  }
0x114: {  	v10 =	vnsel vm9, $0x80000800, v10  }
0x115: {  	(xrf0) =	vmin.scan.msk.u32 $0xffff, v10;
	_ =	sdelay $0x4  }
0x116: {  	s30 =	simm.s32 $0x10  }
0x117: {  	s15 =	simm.s32 $0x20;
	v11 =	vld [tilespmem:s30+$0x0];
	v10, _, _ =	vpop (xrf0)  }
0x118: {  	(v2sf) =	vpush v10, $0xF;
	v10 =	vld [tilespmem:s15+$0x0];
	_ =	sdelay $0x3  }
0x119: {  	vm9 =	veq.f32 v11, v9;
	v11 =	vor.u32 s30, v1  }
0x11a: {  	v11 =	vnsel vm9, $0x80000800, v11;
	vm9 =	veq.f32 v10, v9;
	v10 =	vor.u32 s15, v1  }
0x11b: {  	(xrf0) =	vmin.scan.msk.u32 $0xffff, v11;
	v10 =	vnsel vm9, $0x80000800, v10  }
0x11c: {  	(xrf0) =	vmin.scan.msk.u32 $0xffff, v10;
	_ =	sdelay $0x3  }
0x11d: {  	s31 =	simm.s32 $0x30  }
0x11e: {  	v11 =	vld [tilespmem:s31+$0x0];
	v12, _, _ =	vpop (xrf0)  }
0x11f: {  	(v2sf) =	vpush v12, $0xF;
	v63, _, _ =	vpop (xrf0)  }
0x120: {  	(v2sf) =	vpush v63, $0xF;
	_ =	sdelay $0x1  }
0x121: {  	s16 =	simm.s32 $0x40  }
0x122: {  	vm9 =	veq.f32 v11, v9;
	v11 =	vor.u32 s31, v1;
	v10 =	vld [tilespmem:s16+$0x0]  }
0x123: {  	v11 =	vnsel vm9, $0x80000800, v11  }
0x124: {  	(xrf0) =	vmin.scan.msk.u32 $0xffff, v11;
	_ =	sdelay $0x1  }
0x125: {  	s14 =	simm.s32 $0x800  }
0x126: {  	s15 =	simm.s32 $0x50;
	vm9 =	veq.f32 v10, v9;
	v10 =	vor.u32 s16, v1;
	s16 =	simm.s32 $0x50;
	s17 =	spop (v2sf)  }
.LBB2_20:
0x127: {  	s18 =	smov.u32 s14;
	p0 =	sne.s32 s15, $0x7F0  }
0x128: {  	v12 =	vnsel vm9, $0x80000800, v10;
	s14 =	sxor.u32 $0x80000000, s17;
	s17 =	smov.u32 s15;
	s15 =	sadd.s32 $0x10, s15;
	v11 =	vld [tilespmem:s16+$0x0]  }
.Ltmp9:
0x129: {  	p1 =	slt.s32 s18, s14;
	(xrf0) =	vmin.scan.msk.u32 $0xffff, v12;
	v10, _, _ =	vpop (xrf0);
	(pc) =	sbr.rel @p0 .LBB2_20-.Ltmp9, $2  }
0x12a: {  	s14 =	smov.u32 @p1 s18;
	(v2sf) =	vpush v10, $0xF;
	_ =	sdelay $0x2  }
0x12b: {  	s16 =	sadd.s32 $0x10, s16;
	v10 =	vor.u32 s17, v1;
	vm9 =	veq.f32 v11, v9;
	s17 =	spop (v2sf)  }
0x12c: {  	v10 =	vnsel vm9, $0x80000800, v10  }
0x12d: {  	(xrf0) =	vmin.scan.msk.u32 $0xffff, v10;
	_ =	sdelay $0x3  }
0x12e: {  	v10, _, _ =	vpop (xrf0)  }
0x12f: {  	(v2sf) =	vpush v10, $0xF  }
0x130: {  	v10, _, _ =	vpop (xrf0)  }
0x131: {  	(v2sf) =	vpush v10, $0xF;
	_ =	sdelay $0x7  }
0x132: {  	s15 =	sxor.u32 $0x80000000, s17  }
0x133: {  	s16 =	spop (v2sf);
	p0 =	slt.s32 s14, s15  }
0x134: {  	s15 =	smov.u32 @p0 s14;
	s14 =	sxor.u32 $0x80000000, s16  }
0x135: {  	p0 =	slt.s32 s15, s14;
	s28 =	spop (v2sf)  }
0x136: {  	s14 =	smov.u32 @p0 s15;
	s15 =	sxor.u32 $0x80000000, s28  }
0x137: {  	p0 =	slt.s32 s14, s15;
	s29 =	spop (v2sf)  }
0x138: {  	s15 =	smov.u32 @p0 s14;
	s14 =	sxor.u32 $0x80000000, s29  }
0x139: {  	p0 =	slt.s32 s15, s14;
	s30 =	spop (v2sf)  }
0x13a: {  	s14 =	smov.u32 @p0 s15;
	s15 =	sxor.u32 $0x80000000, s30  }
0x13b: {  	p0 =	slt.s32 s14, s15  }
0x13c: {  	s15 =	smov.u32 @p0 s14  }
0x13d: {  	s14 =	sand.u32 $0xFFFFFFF0, s15  }
0x13e: {  	v10 =	vld [tilespmem:s14+$0x0];
	_ =	sdelay $0x2  }
0x13f: {  	v11 =	vor.u32 s14, v0  }
0x140: {  	vm9 =	veq.s32 v11, s15  }
0x141: {  	v10 =	vsel vm9, $0xFF800000, v10  }
0x142: {  	s31 =	simm.s32 $0x0;
	[tilespmem:s14+$0x0] =	vst v10  }
0x143: {  	v11 =	vimm.f32 $-Inf;
	v10 =	vmov s15;
	s14 =	simm.s32 $0x40;
	v12 =	vld [tilespmem:s31+$0x0]  }
.LBB2_22:
0x144: {  	p0 =	sne.s32 s14, $0x1FC0  }
.Ltmp10:
0x145: {  	_ = 	snop;
	(pc) =	sbr.rel @p0 .LBB2_22-.Ltmp10, $3  }
0x146: {  	_ =	sdelay $0x1  }
0x147: {  	s15 =	sshra.s32 s14, $0x2;
	s14 =	sadd.s32 $0x40, s14;
	v11 =	vmax.f32 v11, v12  }
0x148: {  	v12 =	vld [tilespmem:s15+$0x0]  }
0x149: {  	_ =	sdelay $0x3  }
0x14a: {  	v11 =	vmax.f32 v11, v12  }
0x14b: {  	(xrf0) =	vmax.scan.msk.f32 $0xffff, v11;
	_ =	sdelay $0x2  }
0x14c: {  	s14 =	simm.s32 $0x0  }
0x14d: {  	v12 =	vld [tilespmem:s14+$0x0];
	_ =	sdelay $0x1  }
0x14e: {  	v11, _, _ =	vpop (xrf0)  }
0x14f: {  	v11 =	vbroadcast v11, $0xF;
	_ =	sdelay $0x1  }
0x150: {  	vm9 =	veq.f32 v12, v11;
	v12 =	vor.u32 s14, v1  }
0x151: {  	v12 =	vnsel vm9, $0x80000800, v12  }
0x152: {  	(xrf0) =	vmin.scan.msk.u32 $0xffff, v12;
	_ =	sdelay $0x4  }
0x153: {  	s30 =	simm.s32 $0x10  }
0x154: {  	s15 =	simm.s32 $0x20;
	v13 =	vld [tilespmem:s30+$0x0];
	v12, _, _ =	vpop (xrf0)  }
0x155: {  	(v2sf) =	vpush v12, $0xF;
	v12 =	vld [tilespmem:s15+$0x0];
	_ =	sdelay $0x3  }
0x156: {  	vm9 =	veq.f32 v13, v11;
	v13 =	vor.u32 s30, v1  }
0x157: {  	v13 =	vnsel vm9, $0x80000800, v13;
	vm9 =	veq.f32 v12, v11;
	v12 =	vor.u32 s15, v1  }
0x158: {  	(xrf0) =	vmin.scan.msk.u32 $0xffff, v13;
	v12 =	vnsel vm9, $0x80000800, v12  }
0x159: {  	(xrf0) =	vmin.scan.msk.u32 $0xffff, v12;
	_ =	sdelay $0x3  }
0x15a: {  	s31 =	simm.s32 $0x30  }
0x15b: {  	v13 =	vld [tilespmem:s31+$0x0];
	v14, _, _ =	vpop (xrf0)  }
0x15c: {  	(v2sf) =	vpush v14, $0xF;
	v14, _, _ =	vpop (xrf0)  }
0x15d: {  	(v2sf) =	vpush v14, $0xF;
	_ =	sdelay $0x1  }
0x15e: {  	s16 =	simm.s32 $0x40  }
0x15f: {  	vm9 =	veq.f32 v13, v11;
	v13 =	vor.u32 s31, v1;
	v12 =	vld [tilespmem:s16+$0x0]  }
0x160: {  	v13 =	vnsel vm9, $0x80000800, v13  }
0x161: {  	(xrf0) =	vmin.scan.msk.u32 $0xffff, v13;
	_ =	sdelay $0x1  }
0x162: {  	s14 =	simm.s32 $0x800  }
0x163: {  	s15 =	simm.s32 $0x50;
	vm9 =	veq.f32 v12, v11;
	v12 =	vor.u32 s16, v1;
	s16 =	simm.s32 $0x50;
	s17 =	spop (v2sf)  }
.LBB2_24:
0x164: {  	s18 =	smov.u32 s14;
	p0 =	sne.s32 s15, $0x7F0  }
0x165: {  	v14 =	vnsel vm9, $0x80000800, v12;
	s14 =	sxor.u32 $0x80000000, s17;
	s17 =	smov.u32 s15;
	s15 =	sadd.s32 $0x10, s15;
	v13 =	vld [tilespmem:s16+$0x0]  }
.Ltmp11:
0x166: {  	p1 =	slt.s32 s18, s14;
	(xrf0) =	vmin.scan.msk.u32 $0xffff, v14;
	v12, _, _ =	vpop (xrf0);
	(pc) =	sbr.rel @p0 .LBB2_24-.Ltmp11, $2  }
0x167: {  	s14 =	smov.u32 @p1 s18;
	(v2sf) =	vpush v12, $0xF;
	_ =	sdelay $0x2  }
0x168: {  	s16 =	sadd.s32 $0x10, s16;
	v12 =	vor.u32 s17, v1;
	vm9 =	veq.f32 v13, v11;
	s17 =	spop (v2sf)  }
0x169: {  	v12 =	vnsel vm9, $0x80000800, v12  }
0x16a: {  	(xrf0) =	vmin.scan.msk.u32 $0xffff, v12;
	_ =	sdelay $0x3  }
0x16b: {  	v12, _, _ =	vpop (xrf0)  }
0x16c: {  	(v2sf) =	vpush v12, $0xF  }
0x16d: {  	v12, _, _ =	vpop (xrf0)  }
0x16e: {  	(v2sf) =	vpush v12, $0xF;
	_ =	sdelay $0x7  }
0x16f: {  	s15 =	sxor.u32 $0x80000000, s17  }
0x170: {  	s16 =	spop (v2sf);
	p0 =	slt.s32 s14, s15  }
0x171: {  	s15 =	smov.u32 @p0 s14;
	s14 =	sxor.u32 $0x80000000, s16  }
0x172: {  	p0 =	slt.s32 s15, s14;
	s28 =	spop (v2sf)  }
0x173: {  	s14 =	smov.u32 @p0 s15;
	s15 =	sxor.u32 $0x80000000, s28  }
0x174: {  	p0 =	slt.s32 s14, s15;
	s29 =	spop (v2sf)  }
0x175: {  	s15 =	smov.u32 @p0 s14;
	s14 =	sxor.u32 $0x80000000, s29  }
0x176: {  	p0 =	slt.s32 s15, s14;
	s30 =	spop (v2sf)  }
0x177: {  	s14 =	smov.u32 @p0 s15;
	s15 =	sxor.u32 $0x80000000, s30  }
0x178: {  	p0 =	slt.s32 s14, s15  }
0x179: {  	s15 =	smov.u32 @p0 s14  }
0x17a: {  	s14 =	sand.u32 $0xFFFFFFF0, s15  }
0x17b: {  	v12 =	vld [tilespmem:s14+$0x0];
	_ =	sdelay $0x2  }
0x17c: {  	v13 =	vor.u32 s14, v0  }
0x17d: {  	vm9 =	veq.s32 v13, s15  }
0x17e: {  	v12 =	vsel vm9, $0xFF800000, v12  }
0x17f: {  	s31 =	simm.s32 $0x0;
	[tilespmem:s14+$0x0] =	vst v12  }
0x180: {  	v13 =	vimm.f32 $-Inf;
	v12 =	vmov s15;
	s14 =	simm.s32 $0x40;
	v14 =	vld [tilespmem:s31+$0x0]  }
.LBB2_26:
0x181: {  	p0 =	sne.s32 s14, $0x1FC0  }
.Ltmp12:
0x182: {  	_ = 	snop;
	(pc) =	sbr.rel @p0 .LBB2_26-.Ltmp12, $3  }
0x183: {  	_ =	sdelay $0x1  }
0x184: {  	s15 =	sshra.s32 s14, $0x2;
	s14 =	sadd.s32 $0x40, s14;
	v13 =	vmax.f32 v13, v14  }
0x185: {  	v14 =	vld [tilespmem:s15+$0x0]  }
0x186: {  	_ =	sdelay $0x3  }
0x187: {  	v13 =	vmax.f32 v13, v14  }
0x188: {  	(xrf0) =	vmax.scan.msk.f32 $0xffff, v13;
	_ =	sdelay $0x2  }
0x189: {  	s14 =	simm.s32 $0x0  }
0x18a: {  	v14 =	vld [tilespmem:s14+$0x0];
	_ =	sdelay $0x1  }
0x18b: {  	v13, _, _ =	vpop (xrf0)  }
0x18c: {  	v13 =	vbroadcast v13, $0xF;
	_ =	sdelay $0x1  }
0x18d: {  	vm9 =	veq.f32 v14, v13;
	v14 =	vor.u32 s14, v1  }
0x18e: {  	v14 =	vnsel vm9, $0x80000800, v14  }
0x18f: {  	(xrf0) =	vmin.scan.msk.u32 $0xffff, v14;
	_ =	sdelay $0x4  }
0x190: {  	s30 =	simm.s32 $0x10  }
0x191: {  	s15 =	simm.s32 $0x20;
	v15 =	vld [tilespmem:s30+$0x0];
	v14, _, _ =	vpop (xrf0)  }
0x192: {  	(v2sf) =	vpush v14, $0xF;
	v14 =	vld [tilespmem:s15+$0x0];
	_ =	sdelay $0x3  }
0x193: {  	vm9 =	veq.f32 v15, v13;
	v15 =	vor.u32 s30, v1  }
0x194: {  	v15 =	vnsel vm9, $0x80000800, v15;
	vm9 =	veq.f32 v14, v13;
	v14 =	vor.u32 s15, v1  }
0x195: {  	(xrf0) =	vmin.scan.msk.u32 $0xffff, v15;
	v14 =	vnsel vm9, $0x80000800, v14  }
0x196: {  	(xrf0) =	vmin.scan.msk.u32 $0xffff, v14;
	_ =	sdelay $0x3  }
0x197: {  	s31 =	simm.s32 $0x30  }
0x198: {  	v15 =	vld [tilespmem:s31+$0x0];
	v16, _, _ =	vpop (xrf0)  }
0x199: {  	(v2sf) =	vpush v16, $0xF;
	v63, _, _ =	vpop (xrf0)  }
0x19a: {  	(v2sf) =	vpush v63, $0xF;
	_ =	sdelay $0x1  }
0x19b: {  	s16 =	simm.s32 $0x40  }
0x19c: {  	vm9 =	veq.f32 v15, v13;
	v15 =	vor.u32 s31, v1;
	v14 =	vld [tilespmem:s16+$0x0]  }
0x19d: {  	v15 =	vnsel vm9, $0x80000800, v15  }
0x19e: {  	(xrf0) =	vmin.scan.msk.u32 $0xffff, v15;
	_ =	sdelay $0x1  }
0x19f: {  	s17 =	simm.s32 $0x50  }
0x1a0: {  	s14 =	simm.s32 $0x800;
	s15 =	simm.s32 $0x50;
	vm9 =	veq.f32 v14, v13;
	v14 =	vor.u32 s16, v1;
	s16 =	spop (v2sf)  }
.LBB2_28:
0x1a1: {  	s18 =	smov.u32 s14;
	p0 =	sne.s32 s15, $0x7F0  }
0x1a2: {  	v16 =	vnsel vm9, $0x80000800, v14;
	s14 =	sxor.u32 $0x80000000, s16;
	s16 =	smov.u32 s15;
	s15 =	sadd.s32 $0x10, s15;
	v15 =	vld [tilespmem:s17+$0x0]  }
.Ltmp13:
0x1a3: {  	p1 =	slt.s32 s18, s14;
	(xrf0) =	vmin.scan.msk.u32 $0xffff, v16;
	v14, _, _ =	vpop (xrf0);
	(pc) =	sbr.rel @p0 .LBB2_28-.Ltmp13, $2  }
0x1a4: {  	s14 =	smov.u32 @p1 s18;
	(v2sf) =	vpush v14, $0xF;
	_ =	sdelay $0x2  }
0x1a5: {  	s17 =	sadd.s32 $0x10, s17;
	v14 =	vor.u32 s16, v1;
	vm9 =	veq.f32 v15, v13;
	s16 =	spop (v2sf)  }
0x1a6: {  	v14 =	vnsel vm9, $0x80000800, v14  }
0x1a7: {  	v58 =	vnsel vm1, $0xFF800000, v2;
	(xrf0) =	vmin.scan.msk.u32 $0xffff, v14  }
0x1a8: {  	v3 =	vsel vm2, v58, v3  }
0x1a9: {  	v3 =	vsel vm3, v3, v5  }
0x1aa: {  	v3 =	vsel vm4, v3, v7  }
0x1ab: {  	v59, _, _ =	vpop (xrf0);
	v3 =	vsel vm5, v3, v9  }
0x1ac: {  	(v2sf) =	vpush v59, $0xF;
	v3 =	vsel vm6, v3, v11  }
0x1ad: {  	v3 =	vsel vm7, v3, v13;
	v60, _, _ =	vpop (xrf0)  }
0x1ae: {  	v2 =	vsub.f32 v3, v2;
	(v2sf) =	vpush v60, $0xF;
	_ =	sdelay $0x1  }
0x1af: {  	v2 =	vmul.f32 $1.442695020e+00, v2;
	_ =	sdelay $0x1  }
0x1b0: {  	(erf) = vpow2.f32 v2;
	_ =	sdelay $0x3  }
0x1b1: {  	s15 =	sxor.u32 $0x80000000, s16  }
0x1b2: {  	s26 =	spop (v2sf);
	p0 =	slt.s32 s14, s15  }
0x1b3: {  	s15 =	smov.u32 @p0 s14;
	s14 =	sxor.u32 $0x80000000, s26  }
0x1b4: {  	p0 =	slt.s32 s15, s14;
	s28 =	spop (v2sf)  }
0x1b5: {  	s14 =	smov.u32 @p0 s15;
	s15 =	sxor.u32 $0x80000000, s28  }
0x1b6: {  	p0 =	slt.s32 s14, s15;
	s29 =	spop (v2sf);
	v2 =	vpop (erf)  }
0x1b7: {  	s15 =	smov.u32 @p0 s14;
	s14 =	sxor.u32 $0x80000000, s29;
	(xrf2) =	vadd.scan.msk.f32 $0xffff, v2  }
0x1b8: {  	p0 =	slt.s32 s15, s14;
	s30 =	spop (v2sf)  }
0x1b9: {  	s14 =	smov.u32 @p0 s15;
	s15 =	sxor.u32 $0x80000000, s30  }
0x1ba: {  	p0 =	slt.s32 s14, s15  }
0x1bb: {  	s15 =	smov.u32 @p0 s14  }
0x1bc: {  	v3 =	vmov s13;
	s31 =	sand.u32 $0xFFFFFFF0, s15  }
0x1bd: {  	v3 =	vnsel vm0, $0x0, v3;
	v61 =	vld [tilespmem:s31+$0x0]  }
0x1be: {  	v3 =	vsel vm2, v3, v4  }
0x1bf: {  	v3 =	vsel vm3, v3, v6  }
0x1c0: {  	v3 =	vsel vm4, v3, v8;
	v62 =	vor.u32 s31, v0  }
0x1c1: {  	v3 =	vsel vm5, v3, v10;
	vm9 =	veq.s32 v62, s15;
	v63, _, _ =	vpop (xrf2)  }
0x1c2: {  	v3 =	vsel vm6, v3, v12;
	v4 =	vbroadcast v63, $0xF;
	v5 =	vsel vm9, $0xFF800000, v61  }
0x1c3: {  	v3 =	vnsel vm7, s15, v3;
	[tilespmem:s31+$0x0] =	vst v5  }
0x1c4: {  	v2 =	vsel vm8, v4, v2;
	[tilespmem:$0x800] =	vst v3  }
0x1c5: {  	[tilespmem:$0x880] =	vst v2  }
0x1c6: {  	[hbm4b:s4+s2] =	stream.linear.scatter [tilespmem:s10], [sflag:$0x1], $0x80, $0x38;
	[tilespmem:$0x900] =	vst v63  }
0x1c7: {  	s12 =	sadd.s32 $0x1, s12;
	_ =	swait.ge [sflag:s9], $0x80  }
0x1c8: {  	p0 =	sne.s32 s12, s6;
	[sflag:s9] =	ssyncset.done $0x0  }
.Ltmp14:
0x1c9: {  	[sflag:s9] =	ssyncadd.s32 $0xFFFFFF80;
	(pc) =	sbr.rel @p0 .LBB2_1-.Ltmp14, $4  }
0x1ca: {  	[hbm4b:s5+s2] =	stream.linear.scatter [tilespmem:s11], [sflag:$0x1], $0x80, $0x38;
	[tilespmem:$0x900] =	vst v63  }
0x1cb: {  	_ =	swait.ge [sflag:s9], $0x80  }
0x1cc: {  	[sflag:s9] =	ssyncset.done $0x0  }
0x1cd: {  	[sflag:s9] =	ssyncadd.s32 $0xFFFFFF80  }
0x1ce: {  	_ =	sfence.sel $0x180000  }
0x1cf: {  	[bflag:$0x0] =	sbarrier.arrive $0xFFFF  }
0x1d0: {  	p0 =	sne.s32 s1, $0x0;
	_ =	strace $0x90000047  }
0x1d1: {  	s0 =	sadd.s32 @!p0 $0x100000, s0;
	[bflag:$0x2] =	sbarrier.arrive $0xFFFF  }
0x1d2: {  	[sflag:s0] =	ssyncadd.tile.s32 @!p0 $0x1;
	_ =	shalt  }
.Lfunc_end2:
_tile_overlayer_lowered:
.L_overlay_start_2:
0x1d3: {  	(tag) =	ssettag $0x2  }
0x1d4: {  	s0 =	rddreg [dreg:$0x0];
	s2 =	stileid.u32  }
0x1d5: {  	s1 =	rddreg [dreg:$0x1];
	p0 =	sne.s32 s2, $0x0  }
0x1d6: {  	s3 =	rddreg [dreg:$0x2];
	[bflag:$0x3] =	sbarrier.arrive $0xFFFF;
	s2 =	simm.s32 @!p0 $0x1C01  }
0x1d7: {  	[timem:s3], [sflag:s2] =	dma.local @!p0 [hbm:s0], s1  }
0x1d8: {  	s0 =	simm.s32 @!p0 $0x1  }
0x1d9: {  	_ =	swait.ge @!p0 [sflag:s0], s1  }
0x1da: {  	s1 =	ssub.s32 @!p0 $0x0, s1;
	[sflag:s0] =	ssyncset.done @!p0 $0x0  }
0x1db: {  	[sflag:s0] =	ssyncadd.s32 @!p0 s1  }
0x1dc: {  	[bflag:$0x3] =	sbarrier.arrive $0xFFFF  }
0x1dd: {  	_ =	shalt  }

</sc_bundles>
